<compile_context>
chip_gen: v7x
topology: tpu7x:2x2x1
jax: 0.10.2.dev20260603
libtpu: 0.0.44.dev20260713+nightly
codegen_flags: <defaults>
</compile_context>

<pallas_src>
import functools

import jax
import jax.numpy as jnp
from jax import lax
from jax.experimental import pallas as pl
from jax.experimental.pallas import tpu as pltpu
from jax.experimental.pallas import tpu_sc as plsc

N = 10000
E = 320000
D_IN = 128
HID = 256
HEADS = 8
HD = HID // HEADS

NB = 1000
NBLK = N // NB


def _dot(a, b):
    return jnp.dot(a.astype(jnp.bfloat16), b.astype(jnp.bfloat16),
                   preferred_element_type=jnp.float32)


def _stage_a_body(x_ref, w_ref, aws_ref, awd_ref, h2_ref, abs_ref, abd_ref):
    h = _dot(x_ref[...], w_ref[...])
    h2_ref[0] = h[:, :128]
    h2_ref[1] = h[:, 128:]
    abs_ref[...] = _dot(h, aws_ref[...])
    abd_ref[...] = _dot(h, awd_ref[...])


def _stage_a(x, w, aws, awd):
    return pl.pallas_call(
        _stage_a_body,
        grid=(NBLK,),
        in_specs=[
            pl.BlockSpec((NB, D_IN), lambda i: (i, 0)),
            pl.BlockSpec((D_IN, HID), lambda i: (0, 0)),
            pl.BlockSpec((HID, 16), lambda i: (0, 0)),
            pl.BlockSpec((HID, 16), lambda i: (0, 0)),
        ],
        out_specs=[
            pl.BlockSpec((2, NB, 128), lambda i: (0, i, 0)),
            pl.BlockSpec((NB, 16), lambda i: (i, 0)),
            pl.BlockSpec((NB, 16), lambda i: (i, 0)),
        ],
        out_shape=[
            jax.ShapeDtypeStruct((2, N, 128), jnp.float32),
            jax.ShapeDtypeStruct((N, 16), jnp.float32),
            jax.ShapeDtypeStruct((N, 16), jnp.float32),
        ],
    )(x, w, aws, awd)



EB = 128
EPT = 20096
NCHUNK = EPT // EB
NP = N + 8
RPT = 624
TAIL = N - 16 * RPT
ZTAIL = NP - 16 * RPT


def _sc_edge_kernel(h2, absrc, abdst, src, dst):
    mesh = plsc.VectorSubcoreMesh(core_axis_name="c", subcore_axis_name="s")

    @functools.partial(
        pl.kernel,
        mesh=mesh,
        compiler_params=pltpu.CompilerParams(use_tc_tiling_on_sc=False),
        out_type=[
            jax.ShapeDtypeStruct((2 * N, 128), jnp.float32),
            jax.ShapeDtypeStruct((2 * N, 16), jnp.float32),
        ],
        scratch_types=[
            pltpu.VMEM((1, EB), jnp.int32),
            pltpu.VMEM((1, EB), jnp.int32),
            pltpu.VMEM((1, EB), jnp.int32),
            pltpu.VMEM((EB, 16), jnp.float32),
            pltpu.VMEM((EB, 16), jnp.float32),
            pltpu.VMEM((EB, 16), jnp.float32),
            pltpu.VMEM((EB, 128), jnp.float32),
            pltpu.VMEM_SHARED((NP, 128), jnp.float32),
            pltpu.VMEM_SHARED((NP, 16), jnp.float32),
            pltpu.SemaphoreType.DMA,
            pltpu.SemaphoreType.DMA,
        ],
    )
    def body(h2_hbm, absrc_hbm, abdst_hbm, src_hbm, dst_hbm,
             bigout_hbm, sout_hbm,
             src_v, dst_v, srcoff_v, srows_v, drows_v, w_v, hrow_v,
             accum, s_accum, sem_a, sem_h):
        c = lax.axis_index("c")
        t = lax.axis_index("s")
        cN = c * N

        zv = jnp.zeros((16,), jnp.float32)

        def _z128(i, _):
            for d in range(8):
                hrow_v[i, pl.ds(d * 16, 16)] = zv
            return 0
        lax.fori_loop(0, EB, _z128, 0)

        def _z16(i, _):
            w_v[i, :] = zv
            return 0
        lax.fori_loop(0, EB, _z16, 0, unroll=4)

        r0 = t * RPT
        for rr in range(0, RPT, EB):
            sz = min(EB, RPT - rr)
            pltpu.sync_copy(hrow_v.at[pl.ds(0, sz)],
                            accum.at[pl.ds(r0 + rr, sz)])
            pltpu.sync_copy(w_v.at[pl.ds(0, sz)],
                            s_accum.at[pl.ds(r0 + rr, sz)])

        @pl.when(t == 15)
        def _zero_tail():
            pltpu.sync_copy(hrow_v.at[pl.ds(0, ZTAIL)],
                            accum.at[pl.ds(16 * RPT, ZTAIL)])
            pltpu.sync_copy(w_v.at[pl.ds(0, ZTAIL)],
                            s_accum.at[pl.ds(16 * RPT, ZTAIL)])

        plsc.subcore_barrier()

        def chunk(k, _):
            base = t * EPT + k * EB
            pltpu.sync_copy(src_hbm.at[pl.ds(base, EB)], src_v.at[0])
            pltpu.sync_copy(dst_hbm.at[pl.ds(base, EB)], dst_v.at[0])

            def _off(g, _):
                sl = pl.ds(g * 16, 16)
                srcoff_v[0, sl] = src_v[0, sl] + cN
                return 0
            lax.fori_loop(0, EB // 16, _off, 0, unroll=4)

            cp_s = pltpu.async_copy(absrc_hbm.at[src_v.at[0]], srows_v, sem_a)
            cp_d = pltpu.async_copy(abdst_hbm.at[dst_v.at[0]], drows_v, sem_a)
            cp_h = pltpu.async_copy(h2_hbm.at[srcoff_v.at[0]], hrow_v, sem_h)
            cp_s.wait()
            cp_d.wait()

            def _w(g, _):
                v = srows_v[g, :] + drows_v[g, :]
                w_v[g, :] = jnp.exp(jnp.maximum(v, 0.2 * v))
                return 0
            lax.fori_loop(0, EB, _w, 0, unroll=2)

            cp_h.wait()

            col0 = 4 * c
            dnums = lax.GatherDimensionNumbers(
                offset_dims=(), collapsed_slice_dims=(0,), start_index_map=(0,))

            def _scale(i, _):
                wrow = w_v[i, :]
                for j in range(4):
                    idx = jnp.full((16, 1), col0 + j, jnp.int32)
                    wsp = lax.gather(wrow, idx, dnums, (1,),
                                     mode=lax.GatherScatterMode.PROMISE_IN_BOUNDS)
                    for d in range(2):
                        sl = pl.ds(j * 32 + d * 16, 16)
                        hrow_v[i, sl] = hrow_v[i, sl] * wsp
                return 0
            lax.fori_loop(0, EB, _scale, 0)

            pltpu.sync_copy(hrow_v, accum.at[dst_v.at[0]], add=True)

            @pl.when(k % 2 == c)
            def _s_scatter():
                pltpu.sync_copy(w_v, s_accum.at[dst_v.at[0]], add=True)
            return 0

        lax.fori_loop(0, NCHUNK, chunk, 0)
        plsc.subcore_barrier()

        pltpu.sync_copy(accum.at[pl.ds(r0, RPT)],
                        bigout_hbm.at[pl.ds(cN + r0, RPT)])
        pltpu.sync_copy(s_accum.at[pl.ds(r0, RPT)],
                        sout_hbm.at[pl.ds(cN + r0, RPT)])

        @pl.when(t == 15)
        def _read_tail():
            pltpu.sync_copy(accum.at[pl.ds(16 * RPT, TAIL)],
                            bigout_hbm.at[pl.ds(cN + 16 * RPT, TAIL)])
            pltpu.sync_copy(s_accum.at[pl.ds(16 * RPT, TAIL)],
                            sout_hbm.at[pl.ds(cN + 16 * RPT, TAIL)])

    return body(h2, absrc, abdst, src, dst)


def _layer_norm(h, g, b):
    mu = jnp.mean(h, axis=-1, keepdims=True)
    var = jnp.mean((h - mu) * (h - mu), axis=-1, keepdims=True)
    return (h - mu) * jax.lax.rsqrt(var + 1e-5) * g + b


def _stage_c_body(o0_ref, o1_ref, s0_ref, s1_ref, r_ref, bias_ref,
                  lng_ref, lnb_ref,
                  w1a_ref, b1a_ref, g1a_ref, bb1a_ref, w2a_ref, b2a_ref,
                  w1r_ref, b1r_ref, g1r_ref, bb1r_ref, w2r_ref, b2r_ref,
                  coords_ref, psum_ref):
    s = s0_ref[...] + s1_ref[...]
    recip = 1.0 / (s + 1e-16)
    rfull = jnp.dot(recip, r_ref[...], preferred_element_type=jnp.float32, precision=jax.lax.Precision.HIGHEST)
    h = jnp.concatenate([o0_ref[...], o1_ref[...]], axis=1) * rfull + bias_ref[...]
    h = _layer_norm(h, lng_ref[...], lnb_ref[...])
    h = jnp.maximum(h, 0.0)
    nrm = jnp.sqrt(jnp.sum(h * h, axis=-1, keepdims=True))
    h = h / jnp.maximum(nrm, 1e-12)

    z = _dot(h, w1a_ref[...]) + b1a_ref[...]
    z = _layer_norm(z, g1a_ref[...], bb1a_ref[...])
    z = jnp.maximum(z, 0.0)
    z2 = _dot(z, w2a_ref[...]) + b2a_ref[...]

    q = _dot(h, w1r_ref[...]) + b1r_ref[...]
    q = _layer_norm(q, g1r_ref[...], bb1r_ref[...])
    q = jnp.maximum(q, 0.0)
    q2 = _dot(q, w2r_ref[...]) + b2r_ref[...]
    rr = jax.nn.sigmoid(q2[:, 0:1])

    r = 0.9 + 0.2 * rr
    theta = z2[:, 0:1]
    phi = z2[:, 1:2]
    st = jnp.sin(theta)
    coords = jnp.concatenate(
        [r * st * jnp.cos(phi), r * st * jnp.sin(phi), r * jnp.cos(theta)], axis=1)
    coords_ref[...] = coords
    psum_ref[...] = jnp.sum(coords, axis=0).reshape(1, 1, 3)


def _stage_c(o0, o1, s0, s1, rmat, bias, lng, lnb, pa, pr):
    full = lambda shape: pl.BlockSpec(shape, lambda i: tuple(0 for _ in shape))
    return pl.pallas_call(
        _stage_c_body,
        grid=(NBLK,),
        in_specs=[
            pl.BlockSpec((NB, 128), lambda i: (i, 0)),
            pl.BlockSpec((NB, 128), lambda i: (i, 0)),
            pl.BlockSpec((NB, HEADS), lambda i: (i, 0)),
            pl.BlockSpec((NB, HEADS), lambda i: (i, 0)),
            full((HEADS, HID)),
            full((1, HID)),
            full((1, HID)),
            full((1, HID)),
            full((HID, HID)), full((1, HID)), full((1, HID)), full((1, HID)),
            full((HID, 2)), full((1, 2)),
            full((HID, 128)), full((1, 128)), full((1, 128)), full((1, 128)),
            full((128, 1)), full((1, 1)),
        ],
        out_specs=[
            pl.BlockSpec((NB, 3), lambda i: (i, 0)),
            pl.BlockSpec((1, 1, 3), lambda i: (i, 0, 0)),
        ],
        out_shape=[
            jax.ShapeDtypeStruct((N, 3), jnp.float32),
            jax.ShapeDtypeStruct((NBLK, 1, 3), jnp.float32),
        ],
    )(o0, o1, s0, s1, rmat, bias, lng, lnb,
      pa['W1'], pa['b1'].reshape(1, -1), pa['g1'].reshape(1, -1), pa['bb1'].reshape(1, -1),
      pa['W2'], pa['b2'].reshape(1, -1),
      pr['W1'], pr['b1'].reshape(1, -1), pr['g1'].reshape(1, -1), pr['bb1'].reshape(1, -1),
      pr['W2'], pr['b2'].reshape(1, -1))


def _stage_d_body(coords_ref, psum_ref, out_ref):
    mean = jnp.sum(psum_ref[...], axis=(0, 1)) * (1.0 / N)
    out_ref[...] = coords_ref[...] - mean.reshape(1, 3)


def _stage_d(coords, psum):
    return pl.pallas_call(
        _stage_d_body,
        out_shape=jax.ShapeDtypeStruct((N, 3), jnp.float32),
    )(coords, psum)


def kernel(x, edge_index, params):
    cp = params['convs'][0]
    src, dst = edge_index[0], edge_index[1]

    eye = jnp.repeat(jnp.eye(HEADS, dtype=jnp.float32), HD, axis=0)
    es = eye * cp['att_src'].reshape(HID, 1)
    ed = eye * cp['att_dst'].reshape(HID, 1)
    aws = jnp.concatenate([es, es], axis=1)
    awd = jnp.concatenate([ed, ed], axis=1)

    hsplit, absrc, abdst = _stage_a(x, cp['W'], aws, awd)
    h2 = hsplit.reshape(2 * N, 128)

    pad = EPT - E // 16
    src_p = jnp.concatenate(
        [src.reshape(16, E // 16),
         jnp.zeros((16, pad), jnp.int32)], axis=1).reshape(-1)
    dst_p = jnp.concatenate(
        [dst.reshape(16, E // 16),
         jnp.full((16, pad), N, jnp.int32)], axis=1).reshape(-1)

    bigout, sout = _sc_edge_kernel(h2, absrc, abdst, src_p, dst_p)
    o0 = bigout[:N]
    o1 = bigout[N:]
    s0 = sout[:N, :HEADS]
    s1 = sout[N:, :HEADS]

    rmat = jnp.repeat(jnp.eye(HEADS, dtype=jnp.float32), HD, axis=1)
    coords, psum = _stage_c(o0, o1, s0, s1, rmat,
                            cp['bias'].reshape(1, HID),
                            cp['ln_g'].reshape(1, HID), cp['ln_b'].reshape(1, HID),
                            params['angle'], params['radius'])
    return _stage_d(coords, psum)

# --- scband reference (transcript-rebuilt; emitter-appended) ---
"""Pipeline reference for scband-gat-6536940224658 (READ-ONLY COPY).

The authoritative reference and input builder live on the scoring server;
editing this copy changes nothing except your own understanding.
"""

import jax, jax.numpy as jnp
import numpy as np

N = 10000
E = 320000
D_IN = 128
HID = 256
HEADS = 8
HD = HID // HEADS
LAYERS = 3


def _glorot(key, fan_in, fan_out, shape):
    lim = float(np.sqrt(6.0 / (fan_in + fan_out)))
    return jax.random.uniform(key, shape, minval=-lim, maxval=lim, dtype=jnp.float32)


def setup_inputs(seed: int = 0):
    key = jax.random.key(seed)
    ks = iter(jax.random.split(key, 64))
    x = jax.random.normal(next(ks), (N, D_IN), dtype=jnp.float32)
    edge_index = jax.random.randint(next(ks), (2, E), 0, N, dtype=jnp.int32)
    convs = []
    in_dim = D_IN
    for _ in range(LAYERS):
        convs.append({
            'W': _glorot(next(ks), in_dim, HID, (in_dim, HID)),
            'att_src': _glorot(next(ks), HD, HD, (HEADS, HD)),
            'att_dst': _glorot(next(ks), HD, HD, (HEADS, HD)),
            'bias': jnp.zeros((HID,), jnp.float32),
            'ln_g': jnp.ones((HID,), jnp.float32),
            'ln_b': jnp.zeros((HID,), jnp.float32),
        })
        in_dim = HID
    angle = {
        'W1': _glorot(next(ks), HID, HID, (HID, HID)), 'b1': jnp.zeros((HID,), jnp.float32),
        'g1': jnp.ones((HID,), jnp.float32), 'bb1': jnp.zeros((HID,), jnp.float32),
        'W2': _glorot(next(ks), HID, 2, (HID, 2)), 'b2': jnp.zeros((2,), jnp.float32),
    }
    radius = {
        'W1': _glorot(next(ks), HID, HID // 2, (HID, HID // 2)), 'b1': jnp.zeros((HID // 2,), jnp.float32),
        'g1': jnp.ones((HID // 2,), jnp.float32), 'bb1': jnp.zeros((HID // 2,), jnp.float32),
        'W2': _glorot(next(ks), HID // 2, 1, (HID // 2, 1)), 'b2': jnp.zeros((1,), jnp.float32),
    }
    params = {'convs': convs, 'angle': angle, 'radius': radius}
    return {'x': x, 'edge_index': edge_index, 'params': params}


def _layer_norm(h, g, b):
    mu = jnp.mean(h, axis=-1, keepdims=True)
    var = jnp.var(h, axis=-1, keepdims=True)
    return (h - mu) / jnp.sqrt(var + 1e-5) * g + b


def _gat_conv(x, src, dst, p):
    h = (x @ p['W']).reshape(-1, HEADS, HD)
    a_src = jnp.sum(h * p['att_src'], axis=-1)
    a_dst = jnp.sum(h * p['att_dst'], axis=-1)
    e = jax.nn.leaky_relu(a_src[src] + a_dst[dst], 0.2)
    m = jax.ops.segment_max(e, dst, num_segments=N)
    m = jnp.where(jnp.isneginf(m), 0.0, m)
    ex = jnp.exp(e - m[dst])
    s = jax.ops.segment_sum(ex, dst, num_segments=N)
    alpha = ex / (s[dst] + 1e-16)
    out = jax.ops.segment_sum(h[src] * alpha[:, :, None], dst, num_segments=N)
    return out.reshape(N, HID) + p['bias']


def _mlp(h, p, sigmoid_out):
    z = _layer_norm(h @ p['W1'] + p['b1'], p['g1'], p['bb1'])
    z = jax.nn.relu(z)
    z = z @ p['W2'] + p['b2']
    return jax.nn.sigmoid(z) if sigmoid_out else z


def _forward(x, edge_index, params):
    src, dst = edge_index[0], edge_index[1]
    h = x
    for i in range(LAYERS):
        cp = params['convs'][i]
        h_new = _gat_conv(h, src, dst, cp)
        h_new = _layer_norm(h_new, cp['ln_g'], cp['ln_b'])
        h_new = jax.nn.relu(h_new)
        if i > 0:
            h_new = h_new + h  # faithful to source: h is NOT reassigned for i>0
        else:
            h = h_new
    h = h / jnp.maximum(jnp.linalg.norm(h, axis=1, keepdims=True), 1e-12)
    angles = _mlp(h, params['angle'], False)
    radius = _mlp(h, params['radius'], True)
    r = 0.9 + (1.1 - 0.9) * radius[:, 0]
    theta = angles[:, 0]
    phi = angles[:, 1]
    coords = jnp.stack([
        r * jnp.sin(theta) * jnp.cos(phi),
        r * jnp.sin(theta) * jnp.sin(phi),
        r * jnp.cos(theta),
    ], axis=1)
    coords = coords - jnp.mean(coords, axis=0, keepdims=True)
    return coords


def reference(x, edge_index, params):
    return _forward(x, edge_index, params)

if __name__ == "__main__":
    import jax
    _d = setup_inputs()
    print(jax.jit(kernel)(*tuple(_d.values())))

</pallas_src>

<mosaic_0001>
#map = affine_map<(d0, d1) -> (0, 0)>
#map1 = affine_map<(d0, d1) -> (0)>
module attributes {stable_mosaic.version = 14 : i64} {
  func.func @body(%arg0: i32, %arg1: i32, %arg2: memref<20000x128xf32, #tpu.memory_space<hbm>>, %arg3: memref<10000x16xf32, #tpu.memory_space<hbm>>, %arg4: memref<10000x16xf32, #tpu.memory_space<hbm>>, %arg5: memref<321536xi32, #tpu.memory_space<hbm>>, %arg6: memref<321536xi32, #tpu.memory_space<hbm>>, %arg7: memref<20000x128xf32, #tpu.memory_space<hbm>>, %arg8: memref<20000x16xf32, #tpu.memory_space<hbm>>, %arg9: memref<1x128xi32, #tpu.memory_space<vmem>>, %arg10: memref<1x128xi32, #tpu.memory_space<vmem>>, %arg11: memref<1x128xi32, #tpu.memory_space<vmem>>, %arg12: memref<128x16xf32, #tpu.memory_space<vmem>>, %arg13: memref<128x16xf32, #tpu.memory_space<vmem>>, %arg14: memref<128x16xf32, #tpu.memory_space<vmem>>, %arg15: memref<128x128xf32, #tpu.memory_space<vmem>>, %arg16: memref<10008x128xf32, #tpu.memory_space<vmem_shared>>, %arg17: memref<10008x16xf32, #tpu.memory_space<vmem_shared>>, %arg18: memref<!tpu.dma_semaphore, #tpu.memory_space<semaphore_mem>>, %arg19: memref<!tpu.dma_semaphore, #tpu.memory_space<semaphore_mem>>) attributes {dimension_semantics = [#tpu.dimension_semantics<core_parallel>, #tpu.dimension_semantics<subcore_parallel>], iteration_bounds = array<i64: 2, 16>, scalar_prefetch = 0 : i64, scratch_operands = 11 : i64, tpu.core_type = #tpu.core_type<sc_vector_subcore>, window_params = [{transform_indices = #map}, {transform_indices = #map}, {transform_indices = #map}, {transform_indices = #map1}, {transform_indices = #map1}, {transform_indices = #map}, {transform_indices = #map}]} {
    %mul3A = arith.constant 10000 : i32
    %mul3A_0 = arith.muli %arg0, %mul3A : i32
    %broadcast_in_dim3A = arith.constant 0.000000e+00 : f32
    %broadcast_in_dim3A_1 = vector.broadcast %broadcast_in_dim3A : f32 to vector<16xf32>
    %scan3A = arith.constant 0 : i32
    %scan3A_2 = arith.constant 0 : i32
    %scan3A_3 = arith.constant 128 : i32
    %scan3A_4 = arith.addi %scan3A_2, %scan3A_3 : i32
    %scan3A_5 = arith.constant 1 : i32
    %scan3A_6 = scf.for %scan3A_53 = %scan3A_2 to %scan3A_4 step %scan3A_5 iter_args(%scan3A_54 = %scan3A) -> (i32)  : i32 {
      %swap3A = arith.index_cast %scan3A_53 : i32 to index
      %swap3A_55 = arith.constant 0 : index
      %swap3A_56 = tpu.vector_load %arg15[%swap3A, %swap3A_55] {strides = array<i32>} : memref<128x128xf32, #tpu.memory_space<vmem>>, vector<1x16xf32>,
      %swap3A_57 = vector.shape_cast %swap3A_56 : vector<1x16xf32> to vector<16xf32>
      %swap3A_58 = vector.shape_cast %broadcast_in_dim3A_1 : vector<16xf32> to vector<1x16xf32>
      tpu.vector_store %arg15[%swap3A, %swap3A_55], %swap3A_58 {strides = array<i32>} : memref<128x128xf32, #tpu.memory_space<vmem>>, vector<1x16xf32>,
      %swap3A_59 = arith.index_cast %scan3A_53 : i32 to index
      %swap3A_60 = arith.constant 16 : index
      %swap3A_61 = tpu.vector_load %arg15[%swap3A_59, %swap3A_60] {strides = array<i32>} : memref<128x128xf32, #tpu.memory_space<vmem>>, vector<1x16xf32>,
      %swap3A_62 = vector.shape_cast %swap3A_61 : vector<1x16xf32> to vector<16xf32>
      %swap3A_63 = vector.shape_cast %broadcast_in_dim3A_1 : vector<16xf32> to vector<1x16xf32>
      tpu.vector_store %arg15[%swap3A_59, %swap3A_60], %swap3A_63 {strides = array<i32>} : memref<128x128xf32, #tpu.memory_space<vmem>>, vector<1x16xf32>,
      %swap3A_64 = arith.index_cast %scan3A_53 : i32 to index
      %swap3A_65 = arith.constant 32 : index
      %swap3A_66 = tpu.vector_load %arg15[%swap3A_64, %swap3A_65] {strides = array<i32>} : memref<128x128xf32, #tpu.memory_space<vmem>>, vector<1x16xf32>,
      %swap3A_67 = vector.shape_cast %swap3A_66 : vector<1x16xf32> to vector<16xf32>
      %swap3A_68 = vector.shape_cast %broadcast_in_dim3A_1 : vector<16xf32> to vector<1x16xf32>
      tpu.vector_store %arg15[%swap3A_64, %swap3A_65], %swap3A_68 {strides = array<i32>} : memref<128x128xf32, #tpu.memory_space<vmem>>, vector<1x16xf32>,
      %swap3A_69 = arith.index_cast %scan3A_53 : i32 to index
      %swap3A_70 = arith.constant 48 : index
      %swap3A_71 = tpu.vector_load %arg15[%swap3A_69, %swap3A_70] {strides = array<i32>} : memref<128x128xf32, #tpu.memory_space<vmem>>, vector<1x16xf32>,
      %swap3A_72 = vector.shape_cast %swap3A_71 : vector<1x16xf32> to vector<16xf32>
      %swap3A_73 = vector.shape_cast %broadcast_in_dim3A_1 : vector<16xf32> to vector<1x16xf32>
      tpu.vector_store %arg15[%swap3A_69, %swap3A_70], %swap3A_73 {strides = array<i32>} : memref<128x128xf32, #tpu.memory_space<vmem>>, vector<1x16xf32>,
      %swap3A_74 = arith.index_cast %scan3A_53 : i32 to index
      %swap3A_75 = arith.constant 64 : index
      %swap3A_76 = tpu.vector_load %arg15[%swap3A_74, %swap3A_75] {strides = array<i32>} : memref<128x128xf32, #tpu.memory_space<vmem>>, vector<1x16xf32>,
      %swap3A_77 = vector.shape_cast %swap3A_76 : vector<1x16xf32> to vector<16xf32>
      %swap3A_78 = vector.shape_cast %broadcast_in_dim3A_1 : vector<16xf32> to vector<1x16xf32>
      tpu.vector_store %arg15[%swap3A_74, %swap3A_75], %swap3A_78 {strides = array<i32>} : memref<128x128xf32, #tpu.memory_space<vmem>>, vector<1x16xf32>,
      %swap3A_79 = arith.index_cast %scan3A_53 : i32 to index
      %swap3A_80 = arith.constant 80 : index
      %swap3A_81 = tpu.vector_load %arg15[%swap3A_79, %swap3A_80] {strides = array<i32>} : memref<128x128xf32, #tpu.memory_space<vmem>>, vector<1x16xf32>,
      %swap3A_82 = vector.shape_cast %swap3A_81 : vector<1x16xf32> to vector<16xf32>
      %swap3A_83 = vector.shape_cast %broadcast_in_dim3A_1 : vector<16xf32> to vector<1x16xf32>
      tpu.vector_store %arg15[%swap3A_79, %swap3A_80], %swap3A_83 {strides = array<i32>} : memref<128x128xf32, #tpu.memory_space<vmem>>, vector<1x16xf32>,
      %swap3A_84 = arith.index_cast %scan3A_53 : i32 to index
      %swap3A_85 = arith.constant 96 : index
      %swap3A_86 = tpu.vector_load %arg15[%swap3A_84, %swap3A_85] {strides = array<i32>} : memref<128x128xf32, #tpu.memory_space<vmem>>, vector<1x16xf32>,
      %swap3A_87 = vector.shape_cast %swap3A_86 : vector<1x16xf32> to vector<16xf32>
      %swap3A_88 = vector.shape_cast %broadcast_in_dim3A_1 : vector<16xf32> to vector<1x16xf32>
      tpu.vector_store %arg15[%swap3A_84, %swap3A_85], %swap3A_88 {strides = array<i32>} : memref<128x128xf32, #tpu.memory_space<vmem>>, vector<1x16xf32>,
      %swap3A_89 = arith.index_cast %scan3A_53 : i32 to index
      %swap3A_90 = arith.constant 112 : index
      %swap3A_91 = tpu.vector_load %arg15[%swap3A_89, %swap3A_90] {strides = array<i32>} : memref<128x128xf32, #tpu.memory_space<vmem>>, vector<1x16xf32>,
      %swap3A_92 = vector.shape_cast %swap3A_91 : vector<1x16xf32> to vector<16xf32>
      %swap3A_93 = vector.shape_cast %broadcast_in_dim3A_1 : vector<16xf32> to vector<1x16xf32>
      tpu.vector_store %arg15[%swap3A_89, %swap3A_90], %swap3A_93 {strides = array<i32>} : memref<128x128xf32, #tpu.memory_space<vmem>>, vector<1x16xf32>,
      %scan3A_94 = arith.constant 0 : i32
      scf.yield %scan3A_94 : i32
    }
    %scan3A_7 = arith.constant 128 : i32
    %scan3A_8 = arith.constant 0 : i32
    %scan3A_9 = arith.constant 0 : i32
    %scan3A_10 = arith.constant 128 : i32
    %scan3A_11 = arith.addi %scan3A_9, %scan3A_10 : i32
    %scan3A_12 = arith.constant 4 : i32
    %scan3A_13 = scf.for %scan3A_53 = %scan3A_9 to %scan3A_11 step %scan3A_12 iter_args(%scan3A_54 = %scan3A_8) -> (i32)  : i32 {
      %swap3A = arith.index_cast %scan3A_53 : i32 to index
      %swap3A_55 = arith.constant 0 : index
      %swap3A_56 = tpu.vector_load %arg14[%swap3A, %swap3A_55] {strides = array<i32>} : memref<128x16xf32, #tpu.memory_space<vmem>>, vector<1x16xf32>,
      %swap3A_57 = vector.shape_cast %swap3A_56 : vector<1x16xf32> to vector<16xf32>
      %swap3A_58 = vector.shape_cast %broadcast_in_dim3A_1 : vector<16xf32> to vector<1x16xf32>
      tpu.vector_store %arg14[%swap3A, %swap3A_55], %swap3A_58 {strides = array<i32>} : memref<128x16xf32, #tpu.memory_space<vmem>>, vector<1x16xf32>,
      %scan3A_59 = arith.constant 0 : i32
      %scan3A_60 = arith.constant 1 : i32
      %scan3A_61 = arith.addi %scan3A_53, %scan3A_60 : i32
      %swap3A_62 = arith.index_cast %scan3A_61 : i32 to index
      %swap3A_63 = arith.constant 0 : index
      %swap3A_64 = tpu.vector_load %arg14[%swap3A_62, %swap3A_63] {strides = array<i32>} : memref<128x16xf32, #tpu.memory_space<vmem>>, vector<1x16xf32>,
      %swap3A_65 = vector.shape_cast %swap3A_64 : vector<1x16xf32> to vector<16xf32>
      %swap3A_66 = vector.shape_cast %broadcast_in_dim3A_1 : vector<16xf32> to vector<1x16xf32>
      tpu.vector_store %arg14[%swap3A_62, %swap3A_63], %swap3A_66 {strides = array<i32>} : memref<128x16xf32, #tpu.memory_space<vmem>>, vector<1x16xf32>,
      %scan3A_67 = arith.constant 0 : i32
      %scan3A_68 = arith.constant 2 : i32
      %scan3A_69 = arith.addi %scan3A_53, %scan3A_68 : i32
      %swap3A_70 = arith.index_cast %scan3A_69 : i32 to index
      %swap3A_71 = arith.constant 0 : index
      %swap3A_72 = tpu.vector_load %arg14[%swap3A_70, %swap3A_71] {strides = array<i32>} : memref<128x16xf32, #tpu.memory_space<vmem>>, vector<1x16xf32>,
      %swap3A_73 = vector.shape_cast %swap3A_72 : vector<1x16xf32> to vector<16xf32>
      %swap3A_74 = vector.shape_cast %broadcast_in_dim3A_1 : vector<16xf32> to vector<1x16xf32>
      tpu.vector_store %arg14[%swap3A_70, %swap3A_71], %swap3A_74 {strides = array<i32>} : memref<128x16xf32, #tpu.memory_space<vmem>>, vector<1x16xf32>,
      %scan3A_75 = arith.constant 0 : i32
      %scan3A_76 = arith.constant 3 : i32
      %scan3A_77 = arith.addi %scan3A_53, %scan3A_76 : i32
      %swap3A_78 = arith.index_cast %scan3A_77 : i32 to index
      %swap3A_79 = arith.constant 0 : index
      %swap3A_80 = tpu.vector_load %arg14[%swap3A_78, %swap3A_79] {strides = array<i32>} : memref<128x16xf32, #tpu.memory_space<vmem>>, vector<1x16xf32>,
      %swap3A_81 = vector.shape_cast %swap3A_80 : vector<1x16xf32> to vector<16xf32>
      %swap3A_82 = vector.shape_cast %broadcast_in_dim3A_1 : vector<16xf32> to vector<1x16xf32>
      tpu.vector_store %arg14[%swap3A_78, %swap3A_79], %swap3A_82 {strides = array<i32>} : memref<128x16xf32, #tpu.memory_space<vmem>>, vector<1x16xf32>,
      %scan3A_83 = arith.constant 0 : i32
      scf.yield %scan3A_83 : i32
    }
    %scan3A_14 = arith.constant 128 : i32
    %mul3A_15 = arith.constant 624 : i32
    %mul3A_16 = arith.muli %arg1, %mul3A_15 : i32
    %add3A = arith.constant 0 : i32
    %add3A_17 = arith.addi %mul3A_16, %add3A : i32
    "tpu.region"() ({
      %run_scoped3A = tpu.sem_alloc : memref<!tpu.dma_semaphore, #tpu.memory_space<semaphore_mem>>
      %dma_start3A = arith.constant 0 : i32
      %dma_start3A_53 = arith.constant 0 : i32
      %dma_start3A_54 = tpu.memref_slice %arg15[%dma_start3A, %dma_start3A_53] : memref<128x128xf32, #tpu.memory_space<vmem>> -> memref<128x128xf32, #tpu.memory_space<vmem>>
      %dma_start3A_55 = arith.constant 0 : i32
      %dma_start3A_56 = tpu.memref_slice %arg16[%add3A_17, %dma_start3A_55] : memref<10008x128xf32, #tpu.memory_space<vmem_shared>> -> memref<128x128xf32, #tpu.memory_space<vmem_shared>>
      %dma_start3A_57 = arith.constant 0 : i32
      %dma_start3A_58 = tpu.memref_slice %arg16[%add3A_17, %dma_start3A_57] : memref<10008x128xf32, #tpu.memory_space<vmem_shared>> -> memref<128x128xf32, #tpu.memory_space<vmem_shared>>
      %dma_start3A_59 = arith.constant 0 : i32
      %dma_start3A_60 = arith.constant 0 : i32
      %dma_start3A_61 = tpu.memref_slice %arg15[%dma_start3A_59, %dma_start3A_60] : memref<128x128xf32, #tpu.memory_space<vmem>> -> memref<128x128xf32, #tpu.memory_space<vmem>>
      tpu.enqueue_dma source(%dma_start3A_61 : memref<128x128xf32, #tpu.memory_space<vmem>>) target(%dma_start3A_58 : memref<128x128xf32, #tpu.memory_space<vmem_shared>>) target_semaphore(%run_scoped3A : memref<!tpu.dma_semaphore, #tpu.memory_space<semaphore_mem>>)
      %dma_wait3A = arith.constant 0 : i32
      %dma_wait3A_62 = arith.constant 0 : i32
      %dma_wait3A_63 = tpu.memref_slice %arg15[%dma_wait3A, %dma_wait3A_62] : memref<128x128xf32, #tpu.memory_space<vmem>> -> memref<128x128xf32, #tpu.memory_space<vmem>>
      %dma_wait3A_64 = arith.constant 0 : i32
      %dma_wait3A_65 = tpu.memref_slice %arg16[%add3A_17, %dma_wait3A_64] : memref<10008x128xf32, #tpu.memory_space<vmem_shared>> -> memref<128x128xf32, #tpu.memory_space<vmem_shared>>
      %dma_wait3A_66 = arith.constant 0 : i32
      %dma_wait3A_67 = tpu.memref_slice %arg16[%add3A_17, %dma_wait3A_66] : memref<10008x128xf32, #tpu.memory_space<vmem_shared>> -> memref<128x128xf32, #tpu.memory_space<vmem_shared>>
      %dma_wait3A_68 = arith.constant 0 : i32
      %dma_wait3A_69 = arith.constant 0 : i32
      %dma_wait3A_70 = tpu.memref_slice %arg15[%dma_wait3A_68, %dma_wait3A_69] : memref<128x128xf32, #tpu.memory_space<vmem>> -> memref<128x128xf32, #tpu.memory_space<vmem>>
      tpu.wait_dma2 semaphore(%run_scoped3A : memref<!tpu.dma_semaphore, #tpu.memory_space<semaphore_mem>>) src(%dma_wait3A_70 : memref<128x128xf32, #tpu.memory_space<vmem>>) dst(%dma_wait3A_67 : memref<128x128xf32, #tpu.memory_space<vmem_shared>>)
      tpu.yield
    }) : () -> ()
    %add3A_18 = arith.constant 0 : i32
    %add3A_19 = arith.addi %mul3A_16, %add3A_18 : i32
    "tpu.region"() ({
      %run_scoped3A = tpu.sem_alloc : memref<!tpu.dma_semaphore, #tpu.memory_space<semaphore_mem>>
      %dma_start3A = arith.constant 0 : i32
      %dma_start3A_53 = arith.constant 0 : i32
      %dma_start3A_54 = tpu.memref_slice %arg14[%dma_start3A, %dma_start3A_53] : memref<128x16xf32, #tpu.memory_space<vmem>> -> memref<128x16xf32, #tpu.memory_space<vmem>>
      %dma_start3A_55 = arith.constant 0 : i32
      %dma_start3A_56 = tpu.memref_slice %arg17[%add3A_19, %dma_start3A_55] : memref<10008x16xf32, #tpu.memory_space<vmem_shared>> -> memref<128x16xf32, #tpu.memory_space<vmem_shared>>
      %dma_start3A_57 = arith.constant 0 : i32
      %dma_start3A_58 = tpu.memref_slice %arg17[%add3A_19, %dma_start3A_57] : memref<10008x16xf32, #tpu.memory_space<vmem_shared>> -> memref<128x16xf32, #tpu.memory_space<vmem_shared>>
      %dma_start3A_59 = arith.constant 0 : i32
      %dma_start3A_60 = arith.constant 0 : i32
      %dma_start3A_61 = tpu.memref_slice %arg14[%dma_start3A_59, %dma_start3A_60] : memref<128x16xf32, #tpu.memory_space<vmem>> -> memref<128x16xf32, #tpu.memory_space<vmem>>
      tpu.enqueue_dma source(%dma_start3A_61 : memref<128x16xf32, #tpu.memory_space<vmem>>) target(%dma_start3A_58 : memref<128x16xf32, #tpu.memory_space<vmem_shared>>) target_semaphore(%run_scoped3A : memref<!tpu.dma_semaphore, #tpu.memory_space<semaphore_mem>>)
      %dma_wait3A = arith.constant 0 : i32
      %dma_wait3A_62 = arith.constant 0 : i32
      %dma_wait3A_63 = tpu.memref_slice %arg14[%dma_wait3A, %dma_wait3A_62] : memref<128x16xf32, #tpu.memory_space<vmem>> -> memref<128x16xf32, #tpu.memory_space<vmem>>
      %dma_wait3A_64 = arith.constant 0 : i32
      %dma_wait3A_65 = tpu.memref_slice %arg17[%add3A_19, %dma_wait3A_64] : memref<10008x16xf32, #tpu.memory_space<vmem_shared>> -> memref<128x16xf32, #tpu.memory_space<vmem_shared>>
      %dma_wait3A_66 = arith.constant 0 : i32
      %dma_wait3A_67 = tpu.memref_slice %arg17[%add3A_19, %dma_wait3A_66] : memref<10008x16xf32, #tpu.memory_space<vmem_shared>> -> memref<128x16xf32, #tpu.memory_space<vmem_shared>>
      %dma_wait3A_68 = arith.constant 0 : i32
      %dma_wait3A_69 = arith.constant 0 : i32
      %dma_wait3A_70 = tpu.memref_slice %arg14[%dma_wait3A_68, %dma_wait3A_69] : memref<128x16xf32, #tpu.memory_space<vmem>> -> memref<128x16xf32, #tpu.memory_space<vmem>>
      tpu.wait_dma2 semaphore(%run_scoped3A : memref<!tpu.dma_semaphore, #tpu.memory_space<semaphore_mem>>) src(%dma_wait3A_70 : memref<128x16xf32, #tpu.memory_space<vmem>>) dst(%dma_wait3A_67 : memref<128x16xf32, #tpu.memory_space<vmem_shared>>)
      tpu.yield
    }) : () -> ()
    %add3A_20 = arith.constant 128 : i32
    %add3A_21 = arith.addi %mul3A_16, %add3A_20 : i32
    "tpu.region"() ({
      %run_scoped3A = tpu.sem_alloc : memref<!tpu.dma_semaphore, #tpu.memory_space<semaphore_mem>>
      %dma_start3A = arith.constant 0 : i32
      %dma_start3A_53 = arith.constant 0 : i32
      %dma_start3A_54 = tpu.memref_slice %arg15[%dma_start3A, %dma_start3A_53] : memref<128x128xf32, #tpu.memory_space<vmem>> -> memref<128x128xf32, #tpu.memory_space<vmem>>
      %dma_start3A_55 = arith.constant 0 : i32
      %dma_start3A_56 = tpu.memref_slice %arg16[%add3A_21, %dma_start3A_55] : memref<10008x128xf32, #tpu.memory_space<vmem_shared>> -> memref<128x128xf32, #tpu.memory_space<vmem_shared>>
      %dma_start3A_57 = arith.constant 0 : i32
      %dma_start3A_58 = tpu.memref_slice %arg16[%add3A_21, %dma_start3A_57] : memref<10008x128xf32, #tpu.memory_space<vmem_shared>> -> memref<128x128xf32, #tpu.memory_space<vmem_shared>>
      %dma_start3A_59 = arith.constant 0 : i32
      %dma_start3A_60 = arith.constant 0 : i32
      %dma_start3A_61 = tpu.memref_slice %arg15[%dma_start3A_59, %dma_start3A_60] : memref<128x128xf32, #tpu.memory_space<vmem>> -> memref<128x128xf32, #tpu.memory_space<vmem>>
      tpu.enqueue_dma source(%dma_start3A_61 : memref<128x128xf32, #tpu.memory_space<vmem>>) target(%dma_start3A_58 : memref<128x128xf32, #tpu.memory_space<vmem_shared>>) target_semaphore(%run_scoped3A : memref<!tpu.dma_semaphore, #tpu.memory_space<semaphore_mem>>)
      %dma_wait3A = arith.constant 0 : i32
      %dma_wait3A_62 = arith.constant 0 : i32
      %dma_wait3A_63 = tpu.memref_slice %arg15[%dma_wait3A, %dma_wait3A_62] : memref<128x128xf32, #tpu.memory_space<vmem>> -> memref<128x128xf32, #tpu.memory_space<vmem>>
      %dma_wait3A_64 = arith.constant 0 : i32
      %dma_wait3A_65 = tpu.memref_slice %arg16[%add3A_21, %dma_wait3A_64] : memref<10008x128xf32, #tpu.memory_space<vmem_shared>> -> memref<128x128xf32, #tpu.memory_space<vmem_shared>>
      %dma_wait3A_66 = arith.constant 0 : i32
      %dma_wait3A_67 = tpu.memref_slice %arg16[%add3A_21, %dma_wait3A_66] : memref<10008x128xf32, #tpu.memory_space<vmem_shared>> -> memref<128x128xf32, #tpu.memory_space<vmem_shared>>
      %dma_wait3A_68 = arith.constant 0 : i32
      %dma_wait3A_69 = arith.constant 0 : i32
      %dma_wait3A_70 = tpu.memref_slice %arg15[%dma_wait3A_68, %dma_wait3A_69] : memref<128x128xf32, #tpu.memory_space<vmem>> -> memref<128x128xf32, #tpu.memory_space<vmem>>
      tpu.wait_dma2 semaphore(%run_scoped3A : memref<!tpu.dma_semaphore, #tpu.memory_space<semaphore_mem>>) src(%dma_wait3A_70 : memref<128x128xf32, #tpu.memory_space<vmem>>) dst(%dma_wait3A_67 : memref<128x128xf32, #tpu.memory_space<vmem_shared>>)
      tpu.yield
    }) : () -> ()
    %add3A_22 = arith.constant 128 : i32
    %add3A_23 = arith.addi %mul3A_16, %add3A_22 : i32
    "tpu.region"() ({
      %run_scoped3A = tpu.sem_alloc : memref<!tpu.dma_semaphore, #tpu.memory_space<semaphore_mem>>
      %dma_start3A = arith.constant 0 : i32
      %dma_start3A_53 = arith.constant 0 : i32
      %dma_start3A_54 = tpu.memref_slice %arg14[%dma_start3A, %dma_start3A_53] : memref<128x16xf32, #tpu.memory_space<vmem>> -> memref<128x16xf32, #tpu.memory_space<vmem>>
      %dma_start3A_55 = arith.constant 0 : i32
      %dma_start3A_56 = tpu.memref_slice %arg17[%add3A_23, %dma_start3A_55] : memref<10008x16xf32, #tpu.memory_space<vmem_shared>> -> memref<128x16xf32, #tpu.memory_space<vmem_shared>>
      %dma_start3A_57 = arith.constant 0 : i32
      %dma_start3A_58 = tpu.memref_slice %arg17[%add3A_23, %dma_start3A_57] : memref<10008x16xf32, #tpu.memory_space<vmem_shared>> -> memref<128x16xf32, #tpu.memory_space<vmem_shared>>
      %dma_start3A_59 = arith.constant 0 : i32
      %dma_start3A_60 = arith.constant 0 : i32
      %dma_start3A_61 = tpu.memref_slice %arg14[%dma_start3A_59, %dma_start3A_60] : memref<128x16xf32, #tpu.memory_space<vmem>> -> memref<128x16xf32, #tpu.memory_space<vmem>>
      tpu.enqueue_dma source(%dma_start3A_61 : memref<128x16xf32, #tpu.memory_space<vmem>>) target(%dma_start3A_58 : memref<128x16xf32, #tpu.memory_space<vmem_shared>>) target_semaphore(%run_scoped3A : memref<!tpu.dma_semaphore, #tpu.memory_space<semaphore_mem>>)
      %dma_wait3A = arith.constant 0 : i32
      %dma_wait3A_62 = arith.constant 0 : i32
      %dma_wait3A_63 = tpu.memref_slice %arg14[%dma_wait3A, %dma_wait3A_62] : memref<128x16xf32, #tpu.memory_space<vmem>> -> memref<128x16xf32, #tpu.memory_space<vmem>>
      %dma_wait3A_64 = arith.constant 0 : i32
      %dma_wait3A_65 = tpu.memref_slice %arg17[%add3A_23, %dma_wait3A_64] : memref<10008x16xf32, #tpu.memory_space<vmem_shared>> -> memref<128x16xf32, #tpu.memory_space<vmem_shared>>
      %dma_wait3A_66 = arith.constant 0 : i32
      %dma_wait3A_67 = tpu.memref_slice %arg17[%add3A_23, %dma_wait3A_66] : memref<10008x16xf32, #tpu.memory_space<vmem_shared>> -> memref<128x16xf32, #tpu.memory_space<vmem_shared>>
      %dma_wait3A_68 = arith.constant 0 : i32
      %dma_wait3A_69 = arith.constant 0 : i32
      %dma_wait3A_70 = tpu.memref_slice %arg14[%dma_wait3A_68, %dma_wait3A_69] : memref<128x16xf32, #tpu.memory_space<vmem>> -> memref<128x16xf32, #tpu.memory_space<vmem>>
      tpu.wait_dma2 semaphore(%run_scoped3A : memref<!tpu.dma_semaphore, #tpu.memory_space<semaphore_mem>>) src(%dma_wait3A_70 : memref<128x16xf32, #tpu.memory_space<vmem>>) dst(%dma_wait3A_67 : memref<128x16xf32, #tpu.memory_space<vmem_shared>>)
      tpu.yield
    }) : () -> ()
    %add3A_24 = arith.constant 256 : i32
    %add3A_25 = arith.addi %mul3A_16, %add3A_24 : i32
    "tpu.region"() ({
      %run_scoped3A = tpu.sem_alloc : memref<!tpu.dma_semaphore, #tpu.memory_space<semaphore_mem>>
      %dma_start3A = arith.constant 0 : i32
      %dma_start3A_53 = arith.constant 0 : i32
      %dma_start3A_54 = tpu.memref_slice %arg15[%dma_start3A, %dma_start3A_53] : memref<128x128xf32, #tpu.memory_space<vmem>> -> memref<128x128xf32, #tpu.memory_space<vmem>>
      %dma_start3A_55 = arith.constant 0 : i32
      %dma_start3A_56 = tpu.memref_slice %arg16[%add3A_25, %dma_start3A_55] : memref<10008x128xf32, #tpu.memory_space<vmem_shared>> -> memref<128x128xf32, #tpu.memory_space<vmem_shared>>
      %dma_start3A_57 = arith.constant 0 : i32
      %dma_start3A_58 = tpu.memref_slice %arg16[%add3A_25, %dma_start3A_57] : memref<10008x128xf32, #tpu.memory_space<vmem_shared>> -> memref<128x128xf32, #tpu.memory_space<vmem_shared>>
      %dma_start3A_59 = arith.constant 0 : i32
      %dma_start3A_60 = arith.constant 0 : i32
      %dma_start3A_61 = tpu.memref_slice %arg15[%dma_start3A_59, %dma_start3A_60] : memref<128x128xf32, #tpu.memory_space<vmem>> -> memref<128x128xf32, #tpu.memory_space<vmem>>
      tpu.enqueue_dma source(%dma_start3A_61 : memref<128x128xf32, #tpu.memory_space<vmem>>) target(%dma_start3A_58 : memref<128x128xf32, #tpu.memory_space<vmem_shared>>) target_semaphore(%run_scoped3A : memref<!tpu.dma_semaphore, #tpu.memory_space<semaphore_mem>>)
      %dma_wait3A = arith.constant 0 : i32
      %dma_wait3A_62 = arith.constant 0 : i32
      %dma_wait3A_63 = tpu.memref_slice %arg15[%dma_wait3A, %dma_wait3A_62] : memref<128x128xf32, #tpu.memory_space<vmem>> -> memref<128x128xf32, #tpu.memory_space<vmem>>
      %dma_wait3A_64 = arith.constant 0 : i32
      %dma_wait3A_65 = tpu.memref_slice %arg16[%add3A_25, %dma_wait3A_64] : memref<10008x128xf32, #tpu.memory_space<vmem_shared>> -> memref<128x128xf32, #tpu.memory_space<vmem_shared>>
      %dma_wait3A_66 = arith.constant 0 : i32
      %dma_wait3A_67 = tpu.memref_slice %arg16[%add3A_25, %dma_wait3A_66] : memref<10008x128xf32, #tpu.memory_space<vmem_shared>> -> memref<128x128xf32, #tpu.memory_space<vmem_shared>>
      %dma_wait3A_68 = arith.constant 0 : i32
      %dma_wait3A_69 = arith.constant 0 : i32
      %dma_wait3A_70 = tpu.memref_slice %arg15[%dma_wait3A_68, %dma_wait3A_69] : memref<128x128xf32, #tpu.memory_space<vmem>> -> memref<128x128xf32, #tpu.memory_space<vmem>>
      tpu.wait_dma2 semaphore(%run_scoped3A : memref<!tpu.dma_semaphore, #tpu.memory_space<semaphore_mem>>) src(%dma_wait3A_70 : memref<128x128xf32, #tpu.memory_space<vmem>>) dst(%dma_wait3A_67 : memref<128x128xf32, #tpu.memory_space<vmem_shared>>)
      tpu.yield
    }) : () -> ()
    %add3A_26 = arith.constant 256 : i32
    %add3A_27 = arith.addi %mul3A_16, %add3A_26 : i32
    "tpu.region"() ({
      %run_scoped3A = tpu.sem_alloc : memref<!tpu.dma_semaphore, #tpu.memory_space<semaphore_mem>>
      %dma_start3A = arith.constant 0 : i32
      %dma_start3A_53 = arith.constant 0 : i32
      %dma_start3A_54 = tpu.memref_slice %arg14[%dma_start3A, %dma_start3A_53] : memref<128x16xf32, #tpu.memory_space<vmem>> -> memref<128x16xf32, #tpu.memory_space<vmem>>
      %dma_start3A_55 = arith.constant 0 : i32
      %dma_start3A_56 = tpu.memref_slice %arg17[%add3A_27, %dma_start3A_55] : memref<10008x16xf32, #tpu.memory_space<vmem_shared>> -> memref<128x16xf32, #tpu.memory_space<vmem_shared>>
      %dma_start3A_57 = arith.constant 0 : i32
      %dma_start3A_58 = tpu.memref_slice %arg17[%add3A_27, %dma_start3A_57] : memref<10008x16xf32, #tpu.memory_space<vmem_shared>> -> memref<128x16xf32, #tpu.memory_space<vmem_shared>>
      %dma_start3A_59 = arith.constant 0 : i32
      %dma_start3A_60 = arith.constant 0 : i32
      %dma_start3A_61 = tpu.memref_slice %arg14[%dma_start3A_59, %dma_start3A_60] : memref<128x16xf32, #tpu.memory_space<vmem>> -> memref<128x16xf32, #tpu.memory_space<vmem>>
      tpu.enqueue_dma source(%dma_start3A_61 : memref<128x16xf32, #tpu.memory_space<vmem>>) target(%dma_start3A_58 : memref<128x16xf32, #tpu.memory_space<vmem_shared>>) target_semaphore(%run_scoped3A : memref<!tpu.dma_semaphore, #tpu.memory_space<semaphore_mem>>)
      %dma_wait3A = arith.constant 0 : i32
      %dma_wait3A_62 = arith.constant 0 : i32
      %dma_wait3A_63 = tpu.memref_slice %arg14[%dma_wait3A, %dma_wait3A_62] : memref<128x16xf32, #tpu.memory_space<vmem>> -> memref<128x16xf32, #tpu.memory_space<vmem>>
      %dma_wait3A_64 = arith.constant 0 : i32
      %dma_wait3A_65 = tpu.memref_slice %arg17[%add3A_27, %dma_wait3A_64] : memref<10008x16xf32, #tpu.memory_space<vmem_shared>> -> memref<128x16xf32, #tpu.memory_space<vmem_shared>>
      %dma_wait3A_66 = arith.constant 0 : i32
      %dma_wait3A_67 = tpu.memref_slice %arg17[%add3A_27, %dma_wait3A_66] : memref<10008x16xf32, #tpu.memory_space<vmem_shared>> -> memref<128x16xf32, #tpu.memory_space<vmem_shared>>
      %dma_wait3A_68 = arith.constant 0 : i32
      %dma_wait3A_69 = arith.constant 0 : i32
      %dma_wait3A_70 = tpu.memref_slice %arg14[%dma_wait3A_68, %dma_wait3A_69] : memref<128x16xf32, #tpu.memory_space<vmem>> -> memref<128x16xf32, #tpu.memory_space<vmem>>
      tpu.wait_dma2 semaphore(%run_scoped3A : memref<!tpu.dma_semaphore, #tpu.memory_space<semaphore_mem>>) src(%dma_wait3A_70 : memref<128x16xf32, #tpu.memory_space<vmem>>) dst(%dma_wait3A_67 : memref<128x16xf32, #tpu.memory_space<vmem_shared>>)
      tpu.yield
    }) : () -> ()
    %add3A_28 = arith.constant 384 : i32
    %add3A_29 = arith.addi %mul3A_16, %add3A_28 : i32
    "tpu.region"() ({
      %run_scoped3A = tpu.sem_alloc : memref<!tpu.dma_semaphore, #tpu.memory_space<semaphore_mem>>
      %dma_start3A = arith.constant 0 : i32
      %dma_start3A_53 = arith.constant 0 : i32
      %dma_start3A_54 = tpu.memref_slice %arg15[%dma_start3A, %dma_start3A_53] : memref<128x128xf32, #tpu.memory_space<vmem>> -> memref<128x128xf32, #tpu.memory_space<vmem>>
      %dma_start3A_55 = arith.constant 0 : i32
      %dma_start3A_56 = tpu.memref_slice %arg16[%add3A_29, %dma_start3A_55] : memref<10008x128xf32, #tpu.memory_space<vmem_shared>> -> memref<128x128xf32, #tpu.memory_space<vmem_shared>>
      %dma_start3A_57 = arith.constant 0 : i32
      %dma_start3A_58 = tpu.memref_slice %arg16[%add3A_29, %dma_start3A_57] : memref<10008x128xf32, #tpu.memory_space<vmem_shared>> -> memref<128x128xf32, #tpu.memory_space<vmem_shared>>
      %dma_start3A_59 = arith.constant 0 : i32
      %dma_start3A_60 = arith.constant 0 : i32
      %dma_start3A_61 = tpu.memref_slice %arg15[%dma_start3A_59, %dma_start3A_60] : memref<128x128xf32, #tpu.memory_space<vmem>> -> memref<128x128xf32, #tpu.memory_space<vmem>>
      tpu.enqueue_dma source(%dma_start3A_61 : memref<128x128xf32, #tpu.memory_space<vmem>>) target(%dma_start3A_58 : memref<128x128xf32, #tpu.memory_space<vmem_shared>>) target_semaphore(%run_scoped3A : memref<!tpu.dma_semaphore, #tpu.memory_space<semaphore_mem>>)
      %dma_wait3A = arith.constant 0 : i32
      %dma_wait3A_62 = arith.constant 0 : i32
      %dma_wait3A_63 = tpu.memref_slice %arg15[%dma_wait3A, %dma_wait3A_62] : memref<128x128xf32, #tpu.memory_space<vmem>> -> memref<128x128xf32, #tpu.memory_space<vmem>>
      %dma_wait3A_64 = arith.constant 0 : i32
      %dma_wait3A_65 = tpu.memref_slice %arg16[%add3A_29, %dma_wait3A_64] : memref<10008x128xf32, #tpu.memory_space<vmem_shared>> -> memref<128x128xf32, #tpu.memory_space<vmem_shared>>
      %dma_wait3A_66 = arith.constant 0 : i32
      %dma_wait3A_67 = tpu.memref_slice %arg16[%add3A_29, %dma_wait3A_66] : memref<10008x128xf32, #tpu.memory_space<vmem_shared>> -> memref<128x128xf32, #tpu.memory_space<vmem_shared>>
      %dma_wait3A_68 = arith.constant 0 : i32
      %dma_wait3A_69 = arith.constant 0 : i32
      %dma_wait3A_70 = tpu.memref_slice %arg15[%dma_wait3A_68, %dma_wait3A_69] : memref<128x128xf32, #tpu.memory_space<vmem>> -> memref<128x128xf32, #tpu.memory_space<vmem>>
      tpu.wait_dma2 semaphore(%run_scoped3A : memref<!tpu.dma_semaphore, #tpu.memory_space<semaphore_mem>>) src(%dma_wait3A_70 : memref<128x128xf32, #tpu.memory_space<vmem>>) dst(%dma_wait3A_67 : memref<128x128xf32, #tpu.memory_space<vmem_shared>>)
      tpu.yield
    }) : () -> ()
    %add3A_30 = arith.constant 384 : i32
    %add3A_31 = arith.addi %mul3A_16, %add3A_30 : i32
    "tpu.region"() ({
      %run_scoped3A = tpu.sem_alloc : memref<!tpu.dma_semaphore, #tpu.memory_space<semaphore_mem>>
      %dma_start3A = arith.constant 0 : i32
      %dma_start3A_53 = arith.constant 0 : i32
      %dma_start3A_54 = tpu.memref_slice %arg14[%dma_start3A, %dma_start3A_53] : memref<128x16xf32, #tpu.memory_space<vmem>> -> memref<128x16xf32, #tpu.memory_space<vmem>>
      %dma_start3A_55 = arith.constant 0 : i32
      %dma_start3A_56 = tpu.memref_slice %arg17[%add3A_31, %dma_start3A_55] : memref<10008x16xf32, #tpu.memory_space<vmem_shared>> -> memref<128x16xf32, #tpu.memory_space<vmem_shared>>
      %dma_start3A_57 = arith.constant 0 : i32
      %dma_start3A_58 = tpu.memref_slice %arg17[%add3A_31, %dma_start3A_57] : memref<10008x16xf32, #tpu.memory_space<vmem_shared>> -> memref<128x16xf32, #tpu.memory_space<vmem_shared>>
      %dma_start3A_59 = arith.constant 0 : i32
      %dma_start3A_60 = arith.constant 0 : i32
      %dma_start3A_61 = tpu.memref_slice %arg14[%dma_start3A_59, %dma_start3A_60] : memref<128x16xf32, #tpu.memory_space<vmem>> -> memref<128x16xf32, #tpu.memory_space<vmem>>
      tpu.enqueue_dma source(%dma_start3A_61 : memref<128x16xf32, #tpu.memory_space<vmem>>) target(%dma_start3A_58 : memref<128x16xf32, #tpu.memory_space<vmem_shared>>) target_semaphore(%run_scoped3A : memref<!tpu.dma_semaphore, #tpu.memory_space<semaphore_mem>>)
      %dma_wait3A = arith.constant 0 : i32
      %dma_wait3A_62 = arith.constant 0 : i32
      %dma_wait3A_63 = tpu.memref_slice %arg14[%dma_wait3A, %dma_wait3A_62] : memref<128x16xf32, #tpu.memory_space<vmem>> -> memref<128x16xf32, #tpu.memory_space<vmem>>
      %dma_wait3A_64 = arith.constant 0 : i32
      %dma_wait3A_65 = tpu.memref_slice %arg17[%add3A_31, %dma_wait3A_64] : memref<10008x16xf32, #tpu.memory_space<vmem_shared>> -> memref<128x16xf32, #tpu.memory_space<vmem_shared>>
      %dma_wait3A_66 = arith.constant 0 : i32
      %dma_wait3A_67 = tpu.memref_slice %arg17[%add3A_31, %dma_wait3A_66] : memref<10008x16xf32, #tpu.memory_space<vmem_shared>> -> memref<128x16xf32, #tpu.memory_space<vmem_shared>>
      %dma_wait3A_68 = arith.constant 0 : i32
      %dma_wait3A_69 = arith.constant 0 : i32
      %dma_wait3A_70 = tpu.memref_slice %arg14[%dma_wait3A_68, %dma_wait3A_69] : memref<128x16xf32, #tpu.memory_space<vmem>> -> memref<128x16xf32, #tpu.memory_space<vmem>>
      tpu.wait_dma2 semaphore(%run_scoped3A : memref<!tpu.dma_semaphore, #tpu.memory_space<semaphore_mem>>) src(%dma_wait3A_70 : memref<128x16xf32, #tpu.memory_space<vmem>>) dst(%dma_wait3A_67 : memref<128x16xf32, #tpu.memory_space<vmem_shared>>)
      tpu.yield
    }) : () -> ()
    %add3A_32 = arith.constant 512 : i32
    %add3A_33 = arith.addi %mul3A_16, %add3A_32 : i32
    "tpu.region"() ({
      %run_scoped3A = tpu.sem_alloc : memref<!tpu.dma_semaphore, #tpu.memory_space<semaphore_mem>>
      %dma_start3A = arith.constant 0 : i32
      %dma_start3A_53 = arith.constant 0 : i32
      %dma_start3A_54 = tpu.memref_slice %arg15[%dma_start3A, %dma_start3A_53] : memref<128x128xf32, #tpu.memory_space<vmem>> -> memref<112x128xf32, #tpu.memory_space<vmem>>
      %dma_start3A_55 = arith.constant 0 : i32
      %dma_start3A_56 = tpu.memref_slice %arg16[%add3A_33, %dma_start3A_55] : memref<10008x128xf32, #tpu.memory_space<vmem_shared>> -> memref<112x128xf32, #tpu.memory_space<vmem_shared>>
      %dma_start3A_57 = arith.constant 0 : i32
      %dma_start3A_58 = tpu.memref_slice %arg16[%add3A_33, %dma_start3A_57] : memref<10008x128xf32, #tpu.memory_space<vmem_shared>> -> memref<112x128xf32, #tpu.memory_space<vmem_shared>>
      %dma_start3A_59 = arith.constant 0 : i32
      %dma_start3A_60 = arith.constant 0 : i32
      %dma_start3A_61 = tpu.memref_slice %arg15[%dma_start3A_59, %dma_start3A_60] : memref<128x128xf32, #tpu.memory_space<vmem>> -> memref<112x128xf32, #tpu.memory_space<vmem>>
      tpu.enqueue_dma source(%dma_start3A_61 : memref<112x128xf32, #tpu.memory_space<vmem>>) target(%dma_start3A_58 : memref<112x128xf32, #tpu.memory_space<vmem_shared>>) target_semaphore(%run_scoped3A : memref<!tpu.dma_semaphore, #tpu.memory_space<semaphore_mem>>)
      %dma_wait3A = arith.constant 0 : i32
      %dma_wait3A_62 = arith.constant 0 : i32
      %dma_wait3A_63 = tpu.memref_slice %arg15[%dma_wait3A, %dma_wait3A_62] : memref<128x128xf32, #tpu.memory_space<vmem>> -> memref<112x128xf32, #tpu.memory_space<vmem>>
      %dma_wait3A_64 = arith.constant 0 : i32
      %dma_wait3A_65 = tpu.memref_slice %arg16[%add3A_33, %dma_wait3A_64] : memref<10008x128xf32, #tpu.memory_space<vmem_shared>> -> memref<112x128xf32, #tpu.memory_space<vmem_shared>>
      %dma_wait3A_66 = arith.constant 0 : i32
      %dma_wait3A_67 = tpu.memref_slice %arg16[%add3A_33, %dma_wait3A_66] : memref<10008x128xf32, #tpu.memory_space<vmem_shared>> -> memref<112x128xf32, #tpu.memory_space<vmem_shared>>
      %dma_wait3A_68 = arith.constant 0 : i32
      %dma_wait3A_69 = arith.constant 0 : i32
      %dma_wait3A_70 = tpu.memref_slice %arg15[%dma_wait3A_68, %dma_wait3A_69] : memref<128x128xf32, #tpu.memory_space<vmem>> -> memref<112x128xf32, #tpu.memory_space<vmem>>
      tpu.wait_dma2 semaphore(%run_scoped3A : memref<!tpu.dma_semaphore, #tpu.memory_space<semaphore_mem>>) src(%dma_wait3A_70 : memref<112x128xf32, #tpu.memory_space<vmem>>) dst(%dma_wait3A_67 : memref<112x128xf32, #tpu.memory_space<vmem_shared>>)
      tpu.yield
    }) : () -> ()
    %add3A_34 = arith.constant 512 : i32
    %add3A_35 = arith.addi %mul3A_16, %add3A_34 : i32
    "tpu.region"() ({
      %run_scoped3A = tpu.sem_alloc : memref<!tpu.dma_semaphore, #tpu.memory_space<semaphore_mem>>
      %dma_start3A = arith.constant 0 : i32
      %dma_start3A_53 = arith.constant 0 : i32
      %dma_start3A_54 = tpu.memref_slice %arg14[%dma_start3A, %dma_start3A_53] : memref<128x16xf32, #tpu.memory_space<vmem>> -> memref<112x16xf32, #tpu.memory_space<vmem>>
      %dma_start3A_55 = arith.constant 0 : i32
      %dma_start3A_56 = tpu.memref_slice %arg17[%add3A_35, %dma_start3A_55] : memref<10008x16xf32, #tpu.memory_space<vmem_shared>> -> memref<112x16xf32, #tpu.memory_space<vmem_shared>>
      %dma_start3A_57 = arith.constant 0 : i32
      %dma_start3A_58 = tpu.memref_slice %arg17[%add3A_35, %dma_start3A_57] : memref<10008x16xf32, #tpu.memory_space<vmem_shared>> -> memref<112x16xf32, #tpu.memory_space<vmem_shared>>
      %dma_start3A_59 = arith.constant 0 : i32
      %dma_start3A_60 = arith.constant 0 : i32
      %dma_start3A_61 = tpu.memref_slice %arg14[%dma_start3A_59, %dma_start3A_60] : memref<128x16xf32, #tpu.memory_space<vmem>> -> memref<112x16xf32, #tpu.memory_space<vmem>>
      tpu.enqueue_dma source(%dma_start3A_61 : memref<112x16xf32, #tpu.memory_space<vmem>>) target(%dma_start3A_58 : memref<112x16xf32, #tpu.memory_space<vmem_shared>>) target_semaphore(%run_scoped3A : memref<!tpu.dma_semaphore, #tpu.memory_space<semaphore_mem>>)
      %dma_wait3A = arith.constant 0 : i32
      %dma_wait3A_62 = arith.constant 0 : i32
      %dma_wait3A_63 = tpu.memref_slice %arg14[%dma_wait3A, %dma_wait3A_62] : memref<128x16xf32, #tpu.memory_space<vmem>> -> memref<112x16xf32, #tpu.memory_space<vmem>>
      %dma_wait3A_64 = arith.constant 0 : i32
      %dma_wait3A_65 = tpu.memref_slice %arg17[%add3A_35, %dma_wait3A_64] : memref<10008x16xf32, #tpu.memory_space<vmem_shared>> -> memref<112x16xf32, #tpu.memory_space<vmem_shared>>
      %dma_wait3A_66 = arith.constant 0 : i32
      %dma_wait3A_67 = tpu.memref_slice %arg17[%add3A_35, %dma_wait3A_66] : memref<10008x16xf32, #tpu.memory_space<vmem_shared>> -> memref<112x16xf32, #tpu.memory_space<vmem_shared>>
      %dma_wait3A_68 = arith.constant 0 : i32
      %dma_wait3A_69 = arith.constant 0 : i32
      %dma_wait3A_70 = tpu.memref_slice %arg14[%dma_wait3A_68, %dma_wait3A_69] : memref<128x16xf32, #tpu.memory_space<vmem>> -> memref<112x16xf32, #tpu.memory_space<vmem>>
      tpu.wait_dma2 semaphore(%run_scoped3A : memref<!tpu.dma_semaphore, #tpu.memory_space<semaphore_mem>>) src(%dma_wait3A_70 : memref<112x16xf32, #tpu.memory_space<vmem>>) dst(%dma_wait3A_67 : memref<112x16xf32, #tpu.memory_space<vmem_shared>>)
      tpu.yield
    }) : () -> ()
    %eq3A = arith.constant 15 : i32
    %eq3A_36 = arith.cmpi eq, %arg1, %eq3A : i32
    %convert_element_type3A = arith.extui %eq3A_36 : i1 to i32
    %cond3A = arith.constant 0 : i32
    %cond3A_37 = arith.cmpi ne, %convert_element_type3A, %cond3A : i32
    scf.if %cond3A_37 {
      "tpu.region"() ({
        %run_scoped3A = tpu.sem_alloc : memref<!tpu.dma_semaphore, #tpu.memory_space<semaphore_mem>>
        %dma_start3A = arith.constant 0 : i32
        %dma_start3A_53 = arith.constant 0 : i32
        %dma_start3A_54 = tpu.memref_slice %arg15[%dma_start3A, %dma_start3A_53] : memref<128x128xf32, #tpu.memory_space<vmem>> -> memref<24x128xf32, #tpu.memory_space<vmem>>
        %dma_start3A_55 = arith.constant 9984 : i32
        %dma_start3A_56 = arith.constant 0 : i32
        %dma_start3A_57 = tpu.memref_slice %arg16[%dma_start3A_55, %dma_start3A_56] : memref<10008x128xf32, #tpu.memory_space<vmem_shared>> -> memref<24x128xf32, #tpu.memory_space<vmem_shared>>
        %dma_start3A_58 = arith.constant 9984 : i32
        %dma_start3A_59 = arith.constant 0 : i32
        %dma_start3A_60 = tpu.memref_slice %arg16[%dma_start3A_58, %dma_start3A_59] : memref<10008x128xf32, #tpu.memory_space<vmem_shared>> -> memref<24x128xf32, #tpu.memory_space<vmem_shared>>
        %dma_start3A_61 = arith.constant 0 : i32
        %dma_start3A_62 = arith.constant 0 : i32
        %dma_start3A_63 = tpu.memref_slice %arg15[%dma_start3A_61, %dma_start3A_62] : memref<128x128xf32, #tpu.memory_space<vmem>> -> memref<24x128xf32, #tpu.memory_space<vmem>>
        tpu.enqueue_dma source(%dma_start3A_63 : memref<24x128xf32, #tpu.memory_space<vmem>>) target(%dma_start3A_60 : memref<24x128xf32, #tpu.memory_space<vmem_shared>>) target_semaphore(%run_scoped3A : memref<!tpu.dma_semaphore, #tpu.memory_space<semaphore_mem>>)
        %dma_wait3A = arith.constant 0 : i32
        %dma_wait3A_64 = arith.constant 0 : i32
        %dma_wait3A_65 = tpu.memref_slice %arg15[%dma_wait3A, %dma_wait3A_64] : memref<128x128xf32, #tpu.memory_space<vmem>> -> memref<24x128xf32, #tpu.memory_space<vmem>>
        %dma_wait3A_66 = arith.constant 9984 : i32
        %dma_wait3A_67 = arith.constant 0 : i32
        %dma_wait3A_68 = tpu.memref_slice %arg16[%dma_wait3A_66, %dma_wait3A_67] : memref<10008x128xf32, #tpu.memory_space<vmem_shared>> -> memref<24x128xf32, #tpu.memory_space<vmem_shared>>
        %dma_wait3A_69 = arith.constant 9984 : i32
        %dma_wait3A_70 = arith.constant 0 : i32
        %dma_wait3A_71 = tpu.memref_slice %arg16[%dma_wait3A_69, %dma_wait3A_70] : memref<10008x128xf32, #tpu.memory_space<vmem_shared>> -> memref<24x128xf32, #tpu.memory_space<vmem_shared>>
        %dma_wait3A_72 = arith.constant 0 : i32
        %dma_wait3A_73 = arith.constant 0 : i32
        %dma_wait3A_74 = tpu.memref_slice %arg15[%dma_wait3A_72, %dma_wait3A_73] : memref<128x128xf32, #tpu.memory_space<vmem>> -> memref<24x128xf32, #tpu.memory_space<vmem>>
        tpu.wait_dma2 semaphore(%run_scoped3A : memref<!tpu.dma_semaphore, #tpu.memory_space<semaphore_mem>>) src(%dma_wait3A_74 : memref<24x128xf32, #tpu.memory_space<vmem>>) dst(%dma_wait3A_71 : memref<24x128xf32, #tpu.memory_space<vmem_shared>>)
        tpu.yield
      }) : () -> ()
      "tpu.region"() ({
        %run_scoped3A = tpu.sem_alloc : memref<!tpu.dma_semaphore, #tpu.memory_space<semaphore_mem>>
        %dma_start3A = arith.constant 0 : i32
        %dma_start3A_53 = arith.constant 0 : i32
        %dma_start3A_54 = tpu.memref_slice %arg14[%dma_start3A, %dma_start3A_53] : memref<128x16xf32, #tpu.memory_space<vmem>> -> memref<24x16xf32, #tpu.memory_space<vmem>>
        %dma_start3A_55 = arith.constant 9984 : i32
        %dma_start3A_56 = arith.constant 0 : i32
        %dma_start3A_57 = tpu.memref_slice %arg17[%dma_start3A_55, %dma_start3A_56] : memref<10008x16xf32, #tpu.memory_space<vmem_shared>> -> memref<24x16xf32, #tpu.memory_space<vmem_shared>>
        %dma_start3A_58 = arith.constant 9984 : i32
        %dma_start3A_59 = arith.constant 0 : i32
        %dma_start3A_60 = tpu.memref_slice %arg17[%dma_start3A_58, %dma_start3A_59] : memref<10008x16xf32, #tpu.memory_space<vmem_shared>> -> memref<24x16xf32, #tpu.memory_space<vmem_shared>>
        %dma_start3A_61 = arith.constant 0 : i32
        %dma_start3A_62 = arith.constant 0 : i32
        %dma_start3A_63 = tpu.memref_slice %arg14[%dma_start3A_61, %dma_start3A_62] : memref<128x16xf32, #tpu.memory_space<vmem>> -> memref<24x16xf32, #tpu.memory_space<vmem>>
        tpu.enqueue_dma source(%dma_start3A_63 : memref<24x16xf32, #tpu.memory_space<vmem>>) target(%dma_start3A_60 : memref<24x16xf32, #tpu.memory_space<vmem_shared>>) target_semaphore(%run_scoped3A : memref<!tpu.dma_semaphore, #tpu.memory_space<semaphore_mem>>)
        %dma_wait3A = arith.constant 0 : i32
        %dma_wait3A_64 = arith.constant 0 : i32
        %dma_wait3A_65 = tpu.memref_slice %arg14[%dma_wait3A, %dma_wait3A_64] : memref<128x16xf32, #tpu.memory_space<vmem>> -> memref<24x16xf32, #tpu.memory_space<vmem>>
        %dma_wait3A_66 = arith.constant 9984 : i32
        %dma_wait3A_67 = arith.constant 0 : i32
        %dma_wait3A_68 = tpu.memref_slice %arg17[%dma_wait3A_66, %dma_wait3A_67] : memref<10008x16xf32, #tpu.memory_space<vmem_shared>> -> memref<24x16xf32, #tpu.memory_space<vmem_shared>>
        %dma_wait3A_69 = arith.constant 9984 : i32
        %dma_wait3A_70 = arith.constant 0 : i32
        %dma_wait3A_71 = tpu.memref_slice %arg17[%dma_wait3A_69, %dma_wait3A_70] : memref<10008x16xf32, #tpu.memory_space<vmem_shared>> -> memref<24x16xf32, #tpu.memory_space<vmem_shared>>
        %dma_wait3A_72 = arith.constant 0 : i32
        %dma_wait3A_73 = arith.constant 0 : i32
        %dma_wait3A_74 = tpu.memref_slice %arg14[%dma_wait3A_72, %dma_wait3A_73] : memref<128x16xf32, #tpu.memory_space<vmem>> -> memref<24x16xf32, #tpu.memory_space<vmem>>
        tpu.wait_dma2 semaphore(%run_scoped3A : memref<!tpu.dma_semaphore, #tpu.memory_space<semaphore_mem>>) src(%dma_wait3A_74 : memref<24x16xf32, #tpu.memory_space<vmem>>) dst(%dma_wait3A_71 : memref<24x16xf32, #tpu.memory_space<vmem_shared>>)
        tpu.yield
      }) : () -> ()
    } else {
    }
    %barrier3A = arith.constant 0 : index
    tpu.barrier barrier_id(%barrier3A)
    %scan3A_38 = arith.constant 0 : i32
    %scan3A_39 = arith.constant 0 : i32
    %scan3A_40 = arith.constant 157 : i32
    %scan3A_41 = arith.addi %scan3A_39, %scan3A_40 : i32
    %scan3A_42 = arith.constant 1 : i32
    %scan3A_43 = scf.for %scan3A_53 = %scan3A_39 to %scan3A_41 step %scan3A_42 iter_args(%scan3A_54 = %scan3A_38) -> (i32)  : i32 {
      %mul3A_55 = arith.constant 20096 : i32
      %mul3A_56 = arith.muli %arg1, %mul3A_55 : i32
      %mul3A_57 = arith.constant 128 : i32
      %mul3A_58 = arith.muli %scan3A_53, %mul3A_57 : i32
      %add3A_59 = arith.addi %mul3A_56, %mul3A_58 : i32
      %run_scoped3A = arith.constant 0 : i32
      "tpu.region"() ({
        %run_scoped3A_140 = tpu.sem_alloc : memref<!tpu.dma_semaphore, #tpu.memory_space<semaphore_mem>>
        %dma_start3A_141 = arith.constant 0 : i32
        %dma_start3A_142 = tpu.memref_slice %arg9[%run_scoped3A, %dma_start3A_141] : memref<1x128xi32, #tpu.memory_space<vmem>> -> memref<1x128xi32, #tpu.memory_space<vmem>>
        %dma_start3A_143 = tpu.memref_squeeze %dma_start3A_142 : memref<1x128xi32, #tpu.memory_space<vmem>> -> memref<128xi32, #tpu.memory_space<vmem>>
        %dma_start3A_144 = tpu.memref_slice %arg5[%add3A_59] : memref<321536xi32, #tpu.memory_space<hbm>> -> memref<128xi32, #tpu.memory_space<hbm>>
        %dma_start3A_145 = arith.constant 0 : i32
        %dma_start3A_146 = tpu.memref_slice %arg9[%run_scoped3A, %dma_start3A_145] : memref<1x128xi32, #tpu.memory_space<vmem>> -> memref<1x128xi32, #tpu.memory_space<vmem>>
        %dma_start3A_147 = tpu.memref_squeeze %dma_start3A_146 : memref<1x128xi32, #tpu.memory_space<vmem>> -> memref<128xi32, #tpu.memory_space<vmem>>
        %dma_start3A_148 = tpu.memref_slice %arg5[%add3A_59] : memref<321536xi32, #tpu.memory_space<hbm>> -> memref<128xi32, #tpu.memory_space<hbm>>
        tpu.enqueue_dma source(%dma_start3A_148 : memref<128xi32, #tpu.memory_space<hbm>>) target(%dma_start3A_147 : memref<128xi32, #tpu.memory_space<vmem>>) target_semaphore(%run_scoped3A_140 : memref<!tpu.dma_semaphore, #tpu.memory_space<semaphore_mem>>)
        %dma_wait3A_149 = arith.constant 0 : i32
        %dma_wait3A_150 = tpu.memref_slice %arg9[%run_scoped3A, %dma_wait3A_149] : memref<1x128xi32, #tpu.memory_space<vmem>> -> memref<1x128xi32, #tpu.memory_space<vmem>>
        %dma_wait3A_151 = tpu.memref_squeeze %dma_wait3A_150 : memref<1x128xi32, #tpu.memory_space<vmem>> -> memref<128xi32, #tpu.memory_space<vmem>>
        %dma_wait3A_152 = tpu.memref_slice %arg5[%add3A_59] : memref<321536xi32, #tpu.memory_space<hbm>> -> memref<128xi32, #tpu.memory_space<hbm>>
        %dma_wait3A_153 = arith.constant 0 : i32
        %dma_wait3A_154 = tpu.memref_slice %arg9[%run_scoped3A, %dma_wait3A_153] : memref<1x128xi32, #tpu.memory_space<vmem>> -> memref<1x128xi32, #tpu.memory_space<vmem>>
        %dma_wait3A_155 = tpu.memref_squeeze %dma_wait3A_154 : memref<1x128xi32, #tpu.memory_space<vmem>> -> memref<128xi32, #tpu.memory_space<vmem>>
        %dma_wait3A_156 = tpu.memref_slice %arg5[%add3A_59] : memref<321536xi32, #tpu.memory_space<hbm>> -> memref<128xi32, #tpu.memory_space<hbm>>
        tpu.wait_dma2 semaphore(%run_scoped3A_140 : memref<!tpu.dma_semaphore, #tpu.memory_space<semaphore_mem>>) src(%dma_wait3A_156 : memref<128xi32, #tpu.memory_space<hbm>>) dst(%dma_wait3A_155 : memref<128xi32, #tpu.memory_space<vmem>>)
        tpu.yield
      }) : () -> ()
      %run_scoped3A_60 = arith.constant 0 : i32
      "tpu.region"() ({
        %run_scoped3A_140 = tpu.sem_alloc : memref<!tpu.dma_semaphore, #tpu.memory_space<semaphore_mem>>
        %dma_start3A_141 = arith.constant 0 : i32
        %dma_start3A_142 = tpu.memref_slice %arg10[%run_scoped3A_60, %dma_start3A_141] : memref<1x128xi32, #tpu.memory_space<vmem>> -> memref<1x128xi32, #tpu.memory_space<vmem>>
        %dma_start3A_143 = tpu.memref_squeeze %dma_start3A_142 : memref<1x128xi32, #tpu.memory_space<vmem>> -> memref<128xi32, #tpu.memory_space<vmem>>
        %dma_start3A_144 = tpu.memref_slice %arg6[%add3A_59] : memref<321536xi32, #tpu.memory_space<hbm>> -> memref<128xi32, #tpu.memory_space<hbm>>
        %dma_start3A_145 = arith.constant 0 : i32
        %dma_start3A_146 = tpu.memref_slice %arg10[%run_scoped3A_60, %dma_start3A_145] : memref<1x128xi32, #tpu.memory_space<vmem>> -> memref<1x128xi32, #tpu.memory_space<vmem>>
        %dma_start3A_147 = tpu.memref_squeeze %dma_start3A_146 : memref<1x128xi32, #tpu.memory_space<vmem>> -> memref<128xi32, #tpu.memory_space<vmem>>
        %dma_start3A_148 = tpu.memref_slice %arg6[%add3A_59] : memref<321536xi32, #tpu.memory_space<hbm>> -> memref<128xi32, #tpu.memory_space<hbm>>
        tpu.enqueue_dma source(%dma_start3A_148 : memref<128xi32, #tpu.memory_space<hbm>>) target(%dma_start3A_147 : memref<128xi32, #tpu.memory_space<vmem>>) target_semaphore(%run_scoped3A_140 : memref<!tpu.dma_semaphore, #tpu.memory_space<semaphore_mem>>)
        %dma_wait3A_149 = arith.constant 0 : i32
        %dma_wait3A_150 = tpu.memref_slice %arg10[%run_scoped3A_60, %dma_wait3A_149] : memref<1x128xi32, #tpu.memory_space<vmem>> -> memref<1x128xi32, #tpu.memory_space<vmem>>
        %dma_wait3A_151 = tpu.memref_squeeze %dma_wait3A_150 : memref<1x128xi32, #tpu.memory_space<vmem>> -> memref<128xi32, #tpu.memory_space<vmem>>
        %dma_wait3A_152 = tpu.memref_slice %arg6[%add3A_59] : memref<321536xi32, #tpu.memory_space<hbm>> -> memref<128xi32, #tpu.memory_space<hbm>>
        %dma_wait3A_153 = arith.constant 0 : i32
        %dma_wait3A_154 = tpu.memref_slice %arg10[%run_scoped3A_60, %dma_wait3A_153] : memref<1x128xi32, #tpu.memory_space<vmem>> -> memref<1x128xi32, #tpu.memory_space<vmem>>
        %dma_wait3A_155 = tpu.memref_squeeze %dma_wait3A_154 : memref<1x128xi32, #tpu.memory_space<vmem>> -> memref<128xi32, #tpu.memory_space<vmem>>
        %dma_wait3A_156 = tpu.memref_slice %arg6[%add3A_59] : memref<321536xi32, #tpu.memory_space<hbm>> -> memref<128xi32, #tpu.memory_space<hbm>>
        tpu.wait_dma2 semaphore(%run_scoped3A_140 : memref<!tpu.dma_semaphore, #tpu.memory_space<semaphore_mem>>) src(%dma_wait3A_156 : memref<128xi32, #tpu.memory_space<hbm>>) dst(%dma_wait3A_155 : memref<128xi32, #tpu.memory_space<vmem>>)
        tpu.yield
      }) : () -> ()
      %scan3A_61 = arith.constant 0 : i32
      %scan3A_62 = arith.constant 0 : i32
      %scan3A_63 = arith.constant 8 : i32
      %scan3A_64 = arith.addi %scan3A_62, %scan3A_63 : i32
      %scan3A_65 = arith.constant 4 : i32
      %scan3A_66 = scf.for %scan3A_140 = %scan3A_62 to %scan3A_64 step %scan3A_65 iter_args(%scan3A_141 = %scan3A_61) -> (i32)  : i32 {
        %mul3A_142 = arith.constant 16 : i32
        %mul3A_143 = arith.muli %scan3A_140, %mul3A_142 : i32
        %get3A = arith.constant 0 : i32
        %get3A_144 = arith.index_cast %get3A : i32 to index
        %get3A_145 = arith.index_cast %mul3A_143 : i32 to index
        %get3A_146 = tpu.vector_load %arg9[%get3A_144, %get3A_145] {strides = array<i32>} : memref<1x128xi32, #tpu.memory_space<vmem>>, vector<1x16xi32>,
        %get3A_147 = vector.shape_cast %get3A_146 : vector<1x16xi32> to vector<16xi32>
        %add3A_148 = vector.broadcast %mul3A_0 : i32 to vector<16xi32>
        %add3A_149 = arith.addi %get3A_147, %add3A_148 : vector<16xi32>
        %swap3A = arith.constant 0 : i32
        %swap3A_150 = arith.index_cast %swap3A : i32 to index
        %swap3A_151 = arith.index_cast %mul3A_143 : i32 to index
        %swap3A_152 = tpu.vector_load %arg11[%swap3A_150, %swap3A_151] {strides = array<i32>} : memref<1x128xi32, #tpu.memory_space<vmem>>, vector<1x16xi32>,
        %swap3A_153 = vector.shape_cast %swap3A_152 : vector<1x16xi32> to vector<16xi32>
        %swap3A_154 = vector.shape_cast %add3A_149 : vector<16xi32> to vector<1x16xi32>
        tpu.vector_store %arg11[%swap3A_150, %swap3A_151], %swap3A_154 {strides = array<i32>} : memref<1x128xi32, #tpu.memory_space<vmem>>, vector<1x16xi32>,
        %scan3A_155 = arith.constant 0 : i32
        %scan3A_156 = arith.constant 1 : i32
        %scan3A_157 = arith.addi %scan3A_140, %scan3A_156 : i32
        %mul3A_158 = arith.constant 16 : i32
        %mul3A_159 = arith.muli %scan3A_157, %mul3A_158 : i32
        %get3A_160 = arith.constant 0 : i32
        %get3A_161 = arith.index_cast %get3A_160 : i32 to index
        %get3A_162 = arith.index_cast %mul3A_159 : i32 to index
        %get3A_163 = tpu.vector_load %arg9[%get3A_161, %get3A_162] {strides = array<i32>} : memref<1x128xi32, #tpu.memory_space<vmem>>, vector<1x16xi32>,
        %get3A_164 = vector.shape_cast %get3A_163 : vector<1x16xi32> to vector<16xi32>
        %add3A_165 = vector.broadcast %mul3A_0 : i32 to vector<16xi32>
        %add3A_166 = arith.addi %get3A_164, %add3A_165 : vector<16xi32>
        %swap3A_167 = arith.constant 0 : i32
        %swap3A_168 = arith.index_cast %swap3A_167 : i32 to index
        %swap3A_169 = arith.index_cast %mul3A_159 : i32 to index
        %swap3A_170 = tpu.vector_load %arg11[%swap3A_168, %swap3A_169] {strides = array<i32>} : memref<1x128xi32, #tpu.memory_space<vmem>>, vector<1x16xi32>,
        %swap3A_171 = vector.shape_cast %swap3A_170 : vector<1x16xi32> to vector<16xi32>
        %swap3A_172 = vector.shape_cast %add3A_166 : vector<16xi32> to vector<1x16xi32>
        tpu.vector_store %arg11[%swap3A_168, %swap3A_169], %swap3A_172 {strides = array<i32>} : memref<1x128xi32, #tpu.memory_space<vmem>>, vector<1x16xi32>,
        %scan3A_173 = arith.constant 0 : i32
        %scan3A_174 = arith.constant 2 : i32
        %scan3A_175 = arith.addi %scan3A_140, %scan3A_174 : i32
        %mul3A_176 = arith.constant 16 : i32
        %mul3A_177 = arith.muli %scan3A_175, %mul3A_176 : i32
        %get3A_178 = arith.constant 0 : i32
        %get3A_179 = arith.index_cast %get3A_178 : i32 to index
        %get3A_180 = arith.index_cast %mul3A_177 : i32 to index
        %get3A_181 = tpu.vector_load %arg9[%get3A_179, %get3A_180] {strides = array<i32>} : memref<1x128xi32, #tpu.memory_space<vmem>>, vector<1x16xi32>,
        %get3A_182 = vector.shape_cast %get3A_181 : vector<1x16xi32> to vector<16xi32>
        %add3A_183 = vector.broadcast %mul3A_0 : i32 to vector<16xi32>
        %add3A_184 = arith.addi %get3A_182, %add3A_183 : vector<16xi32>
        %swap3A_185 = arith.constant 0 : i32
        %swap3A_186 = arith.index_cast %swap3A_185 : i32 to index
        %swap3A_187 = arith.index_cast %mul3A_177 : i32 to index
        %swap3A_188 = tpu.vector_load %arg11[%swap3A_186, %swap3A_187] {strides = array<i32>} : memref<1x128xi32, #tpu.memory_space<vmem>>, vector<1x16xi32>,
        %swap3A_189 = vector.shape_cast %swap3A_188 : vector<1x16xi32> to vector<16xi32>
        %swap3A_190 = vector.shape_cast %add3A_184 : vector<16xi32> to vector<1x16xi32>
        tpu.vector_store %arg11[%swap3A_186, %swap3A_187], %swap3A_190 {strides = array<i32>} : memref<1x128xi32, #tpu.memory_space<vmem>>, vector<1x16xi32>,
        %scan3A_191 = arith.constant 0 : i32
        %scan3A_192 = arith.constant 3 : i32
        %scan3A_193 = arith.addi %scan3A_140, %scan3A_192 : i32
        %mul3A_194 = arith.constant 16 : i32
        %mul3A_195 = arith.muli %scan3A_193, %mul3A_194 : i32
        %get3A_196 = arith.constant 0 : i32
        %get3A_197 = arith.index_cast %get3A_196 : i32 to index
        %get3A_198 = arith.index_cast %mul3A_195 : i32 to index
        %get3A_199 = tpu.vector_load %arg9[%get3A_197, %get3A_198] {strides = array<i32>} : memref<1x128xi32, #tpu.memory_space<vmem>>, vector<1x16xi32>,
        %get3A_200 = vector.shape_cast %get3A_199 : vector<1x16xi32> to vector<16xi32>
        %add3A_201 = vector.broadcast %mul3A_0 : i32 to vector<16xi32>
        %add3A_202 = arith.addi %get3A_200, %add3A_201 : vector<16xi32>
        %swap3A_203 = arith.constant 0 : i32
        %swap3A_204 = arith.index_cast %swap3A_203 : i32 to index
        %swap3A_205 = arith.index_cast %mul3A_195 : i32 to index
        %swap3A_206 = tpu.vector_load %arg11[%swap3A_204, %swap3A_205] {strides = array<i32>} : memref<1x128xi32, #tpu.memory_space<vmem>>, vector<1x16xi32>,
        %swap3A_207 = vector.shape_cast %swap3A_206 : vector<1x16xi32> to vector<16xi32>
        %swap3A_208 = vector.shape_cast %add3A_202 : vector<16xi32> to vector<1x16xi32>
        tpu.vector_store %arg11[%swap3A_204, %swap3A_205], %swap3A_208 {strides = array<i32>} : memref<1x128xi32, #tpu.memory_space<vmem>>, vector<1x16xi32>,
        %scan3A_209 = arith.constant 0 : i32
        scf.yield %scan3A_209 : i32
      }
      %scan3A_67 = arith.constant 8 : i32
      %dma_start3A = arith.constant 0 : i32
      %dma_start3A_68 = arith.constant 0 : i32
      %dma_start3A_69 = tpu.memref_slice %arg9[%dma_start3A, %dma_start3A_68] : memref<1x128xi32, #tpu.memory_space<vmem>> -> memref<1x128xi32, #tpu.memory_space<vmem>>
      %dma_start3A_70 = tpu.memref_squeeze %dma_start3A_69 : memref<1x128xi32, #tpu.memory_space<vmem>> -> memref<128xi32, #tpu.memory_space<vmem>>
      %dma_start3A_71 = arith.constant 0 : i32
      %dma_start3A_72 = arith.constant 0 : i32
      %dma_start3A_73 = tpu.memref_slice %arg3[%dma_start3A_71, %dma_start3A_72] : memref<10000x16xf32, #tpu.memory_space<hbm>> -> memref<10000x16xf32, #tpu.memory_space<hbm>>
      tpu.enqueue_indirect_dma source(%dma_start3A_73 : memref<10000x16xf32, #tpu.memory_space<hbm>>) target(%arg12 : memref<128x16xf32, #tpu.memory_space<vmem>>) offsets(%dma_start3A_70 : memref<128xi32, #tpu.memory_space<vmem>>) semaphore(%arg18 : memref<!tpu.dma_semaphore, #tpu.memory_space<semaphore_mem>>)
      %dma_start3A_74 = arith.constant 0 : i32
      %dma_start3A_75 = arith.constant 0 : i32
      %dma_start3A_76 = tpu.memref_slice %arg10[%dma_start3A_74, %dma_start3A_75] : memref<1x128xi32, #tpu.memory_space<vmem>> -> memref<1x128xi32, #tpu.memory_space<vmem>>
      %dma_start3A_77 = tpu.memref_squeeze %dma_start3A_76 : memref<1x128xi32, #tpu.memory_space<vmem>> -> memref<128xi32, #tpu.memory_space<vmem>>
      %dma_start3A_78 = arith.constant 0 : i32
      %dma_start3A_79 = arith.constant 0 : i32
      %dma_start3A_80 = tpu.memref_slice %arg4[%dma_start3A_78, %dma_start3A_79] : memref<10000x16xf32, #tpu.memory_space<hbm>> -> memref<10000x16xf32, #tpu.memory_space<hbm>>
      tpu.enqueue_indirect_dma source(%dma_start3A_80 : memref<10000x16xf32, #tpu.memory_space<hbm>>) target(%arg13 : memref<128x16xf32, #tpu.memory_space<vmem>>) offsets(%dma_start3A_77 : memref<128xi32, #tpu.memory_space<vmem>>) semaphore(%arg18 : memref<!tpu.dma_semaphore, #tpu.memory_space<semaphore_mem>>)
      %dma_start3A_81 = arith.constant 0 : i32
      %dma_start3A_82 = arith.constant 0 : i32
      %dma_start3A_83 = tpu.memref_slice %arg11[%dma_start3A_81, %dma_start3A_82] : memref<1x128xi32, #tpu.memory_space<vmem>> -> memref<1x128xi32, #tpu.memory_space<vmem>>
      %dma_start3A_84 = tpu.memref_squeeze %dma_start3A_83 : memref<1x128xi32, #tpu.memory_space<vmem>> -> memref<128xi32, #tpu.memory_space<vmem>>
      %dma_start3A_85 = arith.constant 0 : i32
      %dma_start3A_86 = arith.constant 0 : i32
      %dma_start3A_87 = tpu.memref_slice %arg2[%dma_start3A_85, %dma_start3A_86] : memref<20000x128xf32, #tpu.memory_space<hbm>> -> memref<20000x128xf32, #tpu.memory_space<hbm>>
      tpu.enqueue_indirect_dma source(%dma_start3A_87 : memref<20000x128xf32, #tpu.memory_space<hbm>>) target(%arg15 : memref<128x128xf32, #tpu.memory_space<vmem>>) offsets(%dma_start3A_84 : memref<128xi32, #tpu.memory_space<vmem>>) semaphore(%arg19 : memref<!tpu.dma_semaphore, #tpu.memory_space<semaphore_mem>>)
      %dma_wait3A = arith.constant 0 : i32
      %dma_wait3A_88 = arith.constant 0 : i32
      %dma_wait3A_89 = tpu.memref_slice %arg9[%dma_wait3A, %dma_wait3A_88] : memref<1x128xi32, #tpu.memory_space<vmem>> -> memref<1x128xi32, #tpu.memory_space<vmem>>
      %dma_wait3A_90 = tpu.memref_squeeze %dma_wait3A_89 : memref<1x128xi32, #tpu.memory_space<vmem>> -> memref<128xi32, #tpu.memory_space<vmem>>
      %dma_wait3A_91 = arith.constant 0 : i32
      %dma_wait3A_92 = arith.constant 0 : i32
      %dma_wait3A_93 = tpu.memref_slice %arg3[%dma_wait3A_91, %dma_wait3A_92] : memref<10000x16xf32, #tpu.memory_space<hbm>> -> memref<10000x16xf32, #tpu.memory_space<hbm>>
      tpu.wait_indirect_dma semaphore(%arg18 : memref<!tpu.dma_semaphore, #tpu.memory_space<semaphore_mem>>) src(%dma_wait3A_93 : memref<10000x16xf32, #tpu.memory_space<hbm>>) dst(%arg12 : memref<128x16xf32, #tpu.memory_space<vmem>>)
      %dma_wait3A_94 = arith.constant 0 : i32
      %dma_wait3A_95 = arith.constant 0 : i32
      %dma_wait3A_96 = tpu.memref_slice %arg10[%dma_wait3A_94, %dma_wait3A_95] : memref<1x128xi32, #tpu.memory_space<vmem>> -> memref<1x128xi32, #tpu.memory_space<vmem>>
      %dma_wait3A_97 = tpu.memref_squeeze %dma_wait3A_96 : memref<1x128xi32, #tpu.memory_space<vmem>> -> memref<128xi32, #tpu.memory_space<vmem>>
      %dma_wait3A_98 = arith.constant 0 : i32
      %dma_wait3A_99 = arith.constant 0 : i32
      %dma_wait3A_100 = tpu.memref_slice %arg4[%dma_wait3A_98, %dma_wait3A_99] : memref<10000x16xf32, #tpu.memory_space<hbm>> -> memref<10000x16xf32, #tpu.memory_space<hbm>>
      tpu.wait_indirect_dma semaphore(%arg18 : memref<!tpu.dma_semaphore, #tpu.memory_space<semaphore_mem>>) src(%dma_wait3A_100 : memref<10000x16xf32, #tpu.memory_space<hbm>>) dst(%arg13 : memref<128x16xf32, #tpu.memory_space<vmem>>)
      %scan3A_101 = arith.constant 0 : i32
      %scan3A_102 = arith.constant 0 : i32
      %scan3A_103 = arith.constant 128 : i32
      %scan3A_104 = arith.addi %scan3A_102, %scan3A_103 : i32
      %scan3A_105 = arith.constant 2 : i32
      %scan3A_106 = scf.for %scan3A_140 = %scan3A_102 to %scan3A_104 step %scan3A_105 iter_args(%scan3A_141 = %scan3A_101) -> (i32)  : i32 {
        %get3A = arith.index_cast %scan3A_140 : i32 to index
        %get3A_142 = arith.constant 0 : index
        %get3A_143 = tpu.vector_load %arg12[%get3A, %get3A_142] {strides = array<i32>} : memref<128x16xf32, #tpu.memory_space<vmem>>, vector<1x16xf32>,
        %get3A_144 = vector.shape_cast %get3A_143 : vector<1x16xf32> to vector<16xf32>
        %get3A_145 = arith.index_cast %scan3A_140 : i32 to index
        %get3A_146 = arith.constant 0 : index
        %get3A_147 = tpu.vector_load %arg13[%get3A_145, %get3A_146] {strides = array<i32>} : memref<128x16xf32, #tpu.memory_space<vmem>>, vector<1x16xf32>,
        %get3A_148 = vector.shape_cast %get3A_147 : vector<1x16xf32> to vector<16xf32>
        %add3A_149 = arith.addf %get3A_144, %get3A_148 : vector<16xf32>
        %mul3A_150 = arith.constant 2.000000e-01 : f32
        %mul3A_151 = vector.broadcast %mul3A_150 : f32 to vector<16xf32>
        %mul3A_152 = arith.mulf %mul3A_151, %add3A_149 : vector<16xf32>
        %max3A = arith.maximumf %add3A_149, %mul3A_152 : vector<16xf32>
        %exp3A = math.exp %max3A : vector<16xf32>
        %swap3A = arith.index_cast %scan3A_140 : i32 to index
        %swap3A_153 = arith.constant 0 : index
        %swap3A_154 = tpu.vector_load %arg14[%swap3A, %swap3A_153] {strides = array<i32>} : memref<128x16xf32, #tpu.memory_space<vmem>>, vector<1x16xf32>,
        %swap3A_155 = vector.shape_cast %swap3A_154 : vector<1x16xf32> to vector<16xf32>
        %swap3A_156 = vector.shape_cast %exp3A : vector<16xf32> to vector<1x16xf32>
        tpu.vector_store %arg14[%swap3A, %swap3A_153], %swap3A_156 {strides = array<i32>} : memref<128x16xf32, #tpu.memory_space<vmem>>, vector<1x16xf32>,
        %scan3A_157 = arith.constant 0 : i32
        %scan3A_158 = arith.constant 1 : i32
        %scan3A_159 = arith.addi %scan3A_140, %scan3A_158 : i32
        %get3A_160 = arith.index_cast %scan3A_159 : i32 to index
        %get3A_161 = arith.constant 0 : index
        %get3A_162 = tpu.vector_load %arg12[%get3A_160, %get3A_161] {strides = array<i32>} : memref<128x16xf32, #tpu.memory_space<vmem>>, vector<1x16xf32>,
        %get3A_163 = vector.shape_cast %get3A_162 : vector<1x16xf32> to vector<16xf32>
        %get3A_164 = arith.index_cast %scan3A_159 : i32 to index
        %get3A_165 = arith.constant 0 : index
        %get3A_166 = tpu.vector_load %arg13[%get3A_164, %get3A_165] {strides = array<i32>} : memref<128x16xf32, #tpu.memory_space<vmem>>, vector<1x16xf32>,
        %get3A_167 = vector.shape_cast %get3A_166 : vector<1x16xf32> to vector<16xf32>
        %add3A_168 = arith.addf %get3A_163, %get3A_167 : vector<16xf32>
        %mul3A_169 = arith.constant 2.000000e-01 : f32
        %mul3A_170 = vector.broadcast %mul3A_169 : f32 to vector<16xf32>
        %mul3A_171 = arith.mulf %mul3A_170, %add3A_168 : vector<16xf32>
        %max3A_172 = arith.maximumf %add3A_168, %mul3A_171 : vector<16xf32>
        %exp3A_173 = math.exp %max3A_172 : vector<16xf32>
        %swap3A_174 = arith.index_cast %scan3A_159 : i32 to index
        %swap3A_175 = arith.constant 0 : index
        %swap3A_176 = tpu.vector_load %arg14[%swap3A_174, %swap3A_175] {strides = array<i32>} : memref<128x16xf32, #tpu.memory_space<vmem>>, vector<1x16xf32>,
        %swap3A_177 = vector.shape_cast %swap3A_176 : vector<1x16xf32> to vector<16xf32>
        %swap3A_178 = vector.shape_cast %exp3A_173 : vector<16xf32> to vector<1x16xf32>
        tpu.vector_store %arg14[%swap3A_174, %swap3A_175], %swap3A_178 {strides = array<i32>} : memref<128x16xf32, #tpu.memory_space<vmem>>, vector<1x16xf32>,
        %scan3A_179 = arith.constant 0 : i32
        scf.yield %scan3A_179 : i32
      }
      %scan3A_107 = arith.constant 128 : i32
      %dma_wait3A_108 = arith.constant 0 : i32
      %dma_wait3A_109 = arith.constant 0 : i32
      %dma_wait3A_110 = tpu.memref_slice %arg11[%dma_wait3A_108, %dma_wait3A_109] : memref<1x128xi32, #tpu.memory_space<vmem>> -> memref<1x128xi32, #tpu.memory_space<vmem>>
      %dma_wait3A_111 = tpu.memref_squeeze %dma_wait3A_110 : memref<1x128xi32, #tpu.memory_space<vmem>> -> memref<128xi32, #tpu.memory_space<vmem>>
      %dma_wait3A_112 = arith.constant 0 : i32
      %dma_wait3A_113 = arith.constant 0 : i32
      %dma_wait3A_114 = tpu.memref_slice %arg2[%dma_wait3A_112, %dma_wait3A_113] : memref<20000x128xf32, #tpu.memory_space<hbm>> -> memref<20000x128xf32, #tpu.memory_space<hbm>>
      tpu.wait_indirect_dma semaphore(%arg19 : memref<!tpu.dma_semaphore, #tpu.memory_space<semaphore_mem>>) src(%dma_wait3A_114 : memref<20000x128xf32, #tpu.memory_space<hbm>>) dst(%arg15 : memref<128x128xf32, #tpu.memory_space<vmem>>)
      %mul3A_115 = arith.constant 4 : i32
      %mul3A_116 = arith.muli %mul3A_115, %arg0 : i32
      %scan3A_117 = arith.constant 0 : i32
      %scan3A_118 = arith.constant 0 : i32
      %scan3A_119 = arith.constant 128 : i32
      %scan3A_120 = arith.addi %scan3A_118, %scan3A_119 : i32
      %scan3A_121 = arith.constant 1 : i32
      %scan3A_122 = scf.for %scan3A_140 = %scan3A_118 to %scan3A_120 step %scan3A_121 iter_args(%scan3A_141 = %scan3A_117) -> (i32)  : i32 {
        %get3A = arith.index_cast %scan3A_140 : i32 to index
        %get3A_142 = arith.constant 0 : index
        %get3A_143 = tpu.vector_load %arg14[%get3A, %get3A_142] {strides = array<i32>} : memref<128x16xf32, #tpu.memory_space<vmem>>, vector<1x16xf32>,
        %get3A_144 = vector.shape_cast %get3A_143 : vector<1x16xf32> to vector<16xf32>
        %add3A_145 = arith.constant 0 : i32
        %add3A_146 = arith.addi %mul3A_116, %add3A_145 : i32
        %broadcast_in_dim3A_147 = vector.broadcast %add3A_146 : i32 to vector<16x1xi32>
        %gather3A = vector.shape_cast %broadcast_in_dim3A_147 : vector<16x1xi32> to vector<16xi32>
        %gather3A_148 = tpu.dynamic_gather %get3A_144[%gather3A] in [0] : vector<16xf32>, vector<16xi32> -> vector<16xf32>
        %get3A_149 = arith.index_cast %scan3A_140 : i32 to index
        %get3A_150 = arith.constant 0 : index
        %get3A_151 = tpu.vector_load %arg15[%get3A_149, %get3A_150] {strides = array<i32>} : memref<128x128xf32, #tpu.memory_space<vmem>>, vector<1x16xf32>,
        %get3A_152 = vector.shape_cast %get3A_151 : vector<1x16xf32> to vector<16xf32>
        %mul3A_153 = arith.mulf %get3A_152, %gather3A_148 : vector<16xf32>
        %swap3A = arith.index_cast %scan3A_140 : i32 to index
        %swap3A_154 = arith.constant 0 : index
        %swap3A_155 = tpu.vector_load %arg15[%swap3A, %swap3A_154] {strides = array<i32>} : memref<128x128xf32, #tpu.memory_space<vmem>>, vector<1x16xf32>,
        %swap3A_156 = vector.shape_cast %swap3A_155 : vector<1x16xf32> to vector<16xf32>
        %swap3A_157 = vector.shape_cast %mul3A_153 : vector<16xf32> to vector<1x16xf32>
        tpu.vector_store %arg15[%swap3A, %swap3A_154], %swap3A_157 {strides = array<i32>} : memref<128x128xf32, #tpu.memory_space<vmem>>, vector<1x16xf32>,
        %get3A_158 = arith.index_cast %scan3A_140 : i32 to index
        %get3A_159 = arith.constant 16 : index
        %get3A_160 = tpu.vector_load %arg15[%get3A_158, %get3A_159] {strides = array<i32>} : memref<128x128xf32, #tpu.memory_space<vmem>>, vector<1x16xf32>,
        %get3A_161 = vector.shape_cast %get3A_160 : vector<1x16xf32> to vector<16xf32>
        %mul3A_162 = arith.mulf %get3A_161, %gather3A_148 : vector<16xf32>
        %swap3A_163 = arith.index_cast %scan3A_140 : i32 to index
        %swap3A_164 = arith.constant 16 : index
        %swap3A_165 = tpu.vector_load %arg15[%swap3A_163, %swap3A_164] {strides = array<i32>} : memref<128x128xf32, #tpu.memory_space<vmem>>, vector<1x16xf32>,
        %swap3A_166 = vector.shape_cast %swap3A_165 : vector<1x16xf32> to vector<16xf32>
        %swap3A_167 = vector.shape_cast %mul3A_162 : vector<16xf32> to vector<1x16xf32>
        tpu.vector_store %arg15[%swap3A_163, %swap3A_164], %swap3A_167 {strides = array<i32>} : memref<128x128xf32, #tpu.memory_space<vmem>>, vector<1x16xf32>,
        %add3A_168 = arith.constant 1 : i32
        %add3A_169 = arith.addi %mul3A_116, %add3A_168 : i32
        %broadcast_in_dim3A_170 = vector.broadcast %add3A_169 : i32 to vector<16x1xi32>
        %gather3A_171 = vector.shape_cast %broadcast_in_dim3A_170 : vector<16x1xi32> to vector<16xi32>
        %gather3A_172 = tpu.dynamic_gather %get3A_144[%gather3A_171] in [0] : vector<16xf32>, vector<16xi32> -> vector<16xf32>
        %get3A_173 = arith.index_cast %scan3A_140 : i32 to index
        %get3A_174 = arith.constant 32 : index
        %get3A_175 = tpu.vector_load %arg15[%get3A_173, %get3A_174] {strides = array<i32>} : memref<128x128xf32, #tpu.memory_space<vmem>>, vector<1x16xf32>,
        %get3A_176 = vector.shape_cast %get3A_175 : vector<1x16xf32> to vector<16xf32>
        %mul3A_177 = arith.mulf %get3A_176, %gather3A_172 : vector<16xf32>
        %swap3A_178 = arith.index_cast %scan3A_140 : i32 to index
        %swap3A_179 = arith.constant 32 : index
        %swap3A_180 = tpu.vector_load %arg15[%swap3A_178, %swap3A_179] {strides = array<i32>} : memref<128x128xf32, #tpu.memory_space<vmem>>, vector<1x16xf32>,
        %swap3A_181 = vector.shape_cast %swap3A_180 : vector<1x16xf32> to vector<16xf32>
        %swap3A_182 = vector.shape_cast %mul3A_177 : vector<16xf32> to vector<1x16xf32>
        tpu.vector_store %arg15[%swap3A_178, %swap3A_179], %swap3A_182 {strides = array<i32>} : memref<128x128xf32, #tpu.memory_space<vmem>>, vector<1x16xf32>,
        %get3A_183 = arith.index_cast %scan3A_140 : i32 to index
        %get3A_184 = arith.constant 48 : index
        %get3A_185 = tpu.vector_load %arg15[%get3A_183, %get3A_184] {strides = array<i32>} : memref<128x128xf32, #tpu.memory_space<vmem>>, vector<1x16xf32>,
        %get3A_186 = vector.shape_cast %get3A_185 : vector<1x16xf32> to vector<16xf32>
        %mul3A_187 = arith.mulf %get3A_186, %gather3A_172 : vector<16xf32>
        %swap3A_188 = arith.index_cast %scan3A_140 : i32 to index
        %swap3A_189 = arith.constant 48 : index
        %swap3A_190 = tpu.vector_load %arg15[%swap3A_188, %swap3A_189] {strides = array<i32>} : memref<128x128xf32, #tpu.memory_space<vmem>>, vector<1x16xf32>,
        %swap3A_191 = vector.shape_cast %swap3A_190 : vector<1x16xf32> to vector<16xf32>
        %swap3A_192 = vector.shape_cast %mul3A_187 : vector<16xf32> to vector<1x16xf32>
        tpu.vector_store %arg15[%swap3A_188, %swap3A_189], %swap3A_192 {strides = array<i32>} : memref<128x128xf32, #tpu.memory_space<vmem>>, vector<1x16xf32>,
        %add3A_193 = arith.constant 2 : i32
        %add3A_194 = arith.addi %mul3A_116, %add3A_193 : i32
        %broadcast_in_dim3A_195 = vector.broadcast %add3A_194 : i32 to vector<16x1xi32>
        %gather3A_196 = vector.shape_cast %broadcast_in_dim3A_195 : vector<16x1xi32> to vector<16xi32>
        %gather3A_197 = tpu.dynamic_gather %get3A_144[%gather3A_196] in [0] : vector<16xf32>, vector<16xi32> -> vector<16xf32>
        %get3A_198 = arith.index_cast %scan3A_140 : i32 to index
        %get3A_199 = arith.constant 64 : index
        %get3A_200 = tpu.vector_load %arg15[%get3A_198, %get3A_199] {strides = array<i32>} : memref<128x128xf32, #tpu.memory_space<vmem>>, vector<1x16xf32>,
        %get3A_201 = vector.shape_cast %get3A_200 : vector<1x16xf32> to vector<16xf32>
        %mul3A_202 = arith.mulf %get3A_201, %gather3A_197 : vector<16xf32>
        %swap3A_203 = arith.index_cast %scan3A_140 : i32 to index
        %swap3A_204 = arith.constant 64 : index
        %swap3A_205 = tpu.vector_load %arg15[%swap3A_203, %swap3A_204] {strides = array<i32>} : memref<128x128xf32, #tpu.memory_space<vmem>>, vector<1x16xf32>,
        %swap3A_206 = vector.shape_cast %swap3A_205 : vector<1x16xf32> to vector<16xf32>
        %swap3A_207 = vector.shape_cast %mul3A_202 : vector<16xf32> to vector<1x16xf32>
        tpu.vector_store %arg15[%swap3A_203, %swap3A_204], %swap3A_207 {strides = array<i32>} : memref<128x128xf32, #tpu.memory_space<vmem>>, vector<1x16xf32>,
        %get3A_208 = arith.index_cast %scan3A_140 : i32 to index
        %get3A_209 = arith.constant 80 : index
        %get3A_210 = tpu.vector_load %arg15[%get3A_208, %get3A_209] {strides = array<i32>} : memref<128x128xf32, #tpu.memory_space<vmem>>, vector<1x16xf32>,
        %get3A_211 = vector.shape_cast %get3A_210 : vector<1x16xf32> to vector<16xf32>
        %mul3A_212 = arith.mulf %get3A_211, %gather3A_197 : vector<16xf32>
        %swap3A_213 = arith.index_cast %scan3A_140 : i32 to index
        %swap3A_214 = arith.constant 80 : index
        %swap3A_215 = tpu.vector_load %arg15[%swap3A_213, %swap3A_214] {strides = array<i32>} : memref<128x128xf32, #tpu.memory_space<vmem>>, vector<1x16xf32>,
        %swap3A_216 = vector.shape_cast %swap3A_215 : vector<1x16xf32> to vector<16xf32>
        %swap3A_217 = vector.shape_cast %mul3A_212 : vector<16xf32> to vector<1x16xf32>
        tpu.vector_store %arg15[%swap3A_213, %swap3A_214], %swap3A_217 {strides = array<i32>} : memref<128x128xf32, #tpu.memory_space<vmem>>, vector<1x16xf32>,
        %add3A_218 = arith.constant 3 : i32
        %add3A_219 = arith.addi %mul3A_116, %add3A_218 : i32
        %broadcast_in_dim3A_220 = vector.broadcast %add3A_219 : i32 to vector<16x1xi32>
        %gather3A_221 = vector.shape_cast %broadcast_in_dim3A_220 : vector<16x1xi32> to vector<16xi32>
        %gather3A_222 = tpu.dynamic_gather %get3A_144[%gather3A_221] in [0] : vector<16xf32>, vector<16xi32> -> vector<16xf32>
        %get3A_223 = arith.index_cast %scan3A_140 : i32 to index
        %get3A_224 = arith.constant 96 : index
        %get3A_225 = tpu.vector_load %arg15[%get3A_223, %get3A_224] {strides = array<i32>} : memref<128x128xf32, #tpu.memory_space<vmem>>, vector<1x16xf32>,
        %get3A_226 = vector.shape_cast %get3A_225 : vector<1x16xf32> to vector<16xf32>
        %mul3A_227 = arith.mulf %get3A_226, %gather3A_222 : vector<16xf32>
        %swap3A_228 = arith.index_cast %scan3A_140 : i32 to index
        %swap3A_229 = arith.constant 96 : index
        %swap3A_230 = tpu.vector_load %arg15[%swap3A_228, %swap3A_229] {strides = array<i32>} : memref<128x128xf32, #tpu.memory_space<vmem>>, vector<1x16xf32>,
        %swap3A_231 = vector.shape_cast %swap3A_230 : vector<1x16xf32> to vector<16xf32>
        %swap3A_232 = vector.shape_cast %mul3A_227 : vector<16xf32> to vector<1x16xf32>
        tpu.vector_store %arg15[%swap3A_228, %swap3A_229], %swap3A_232 {strides = array<i32>} : memref<128x128xf32, #tpu.memory_space<vmem>>, vector<1x16xf32>,
        %get3A_233 = arith.index_cast %scan3A_140 : i32 to index
        %get3A_234 = arith.constant 112 : index
        %get3A_235 = tpu.vector_load %arg15[%get3A_233, %get3A_234] {strides = array<i32>} : memref<128x128xf32, #tpu.memory_space<vmem>>, vector<1x16xf32>,
        %get3A_236 = vector.shape_cast %get3A_235 : vector<1x16xf32> to vector<16xf32>
        %mul3A_237 = arith.mulf %get3A_236, %gather3A_222 : vector<16xf32>
        %swap3A_238 = arith.index_cast %scan3A_140 : i32 to index
        %swap3A_239 = arith.constant 112 : index
        %swap3A_240 = tpu.vector_load %arg15[%swap3A_238, %swap3A_239] {strides = array<i32>} : memref<128x128xf32, #tpu.memory_space<vmem>>, vector<1x16xf32>,
        %swap3A_241 = vector.shape_cast %swap3A_240 : vector<1x16xf32> to vector<16xf32>
        %swap3A_242 = vector.shape_cast %mul3A_237 : vector<16xf32> to vector<1x16xf32>
        tpu.vector_store %arg15[%swap3A_238, %swap3A_239], %swap3A_242 {strides = array<i32>} : memref<128x128xf32, #tpu.memory_space<vmem>>, vector<1x16xf32>,
        %scan3A_243 = arith.constant 0 : i32
        scf.yield %scan3A_243 : i32
      }
      %scan3A_123 = arith.constant 128 : i32
      %run_scoped3A_124 = arith.constant 0 : i32
      "tpu.region"() ({
        %run_scoped3A_140 = tpu.sem_alloc : memref<!tpu.dma_semaphore, #tpu.memory_space<semaphore_mem>>
        %dma_start3A_141 = arith.constant 0 : i32
        %dma_start3A_142 = tpu.memref_slice %arg10[%run_scoped3A_124, %dma_start3A_141] : memref<1x128xi32, #tpu.memory_space<vmem>> -> memref<1x128xi32, #tpu.memory_space<vmem>>
        %dma_start3A_143 = tpu.memref_squeeze %dma_start3A_142 : memref<1x128xi32, #tpu.memory_space<vmem>> -> memref<128xi32, #tpu.memory_space<vmem>>
        %dma_start3A_144 = arith.constant 0 : i32
        %dma_start3A_145 = arith.constant 0 : i32
        %dma_start3A_146 = tpu.memref_slice %arg16[%dma_start3A_144, %dma_start3A_145] : memref<10008x128xf32, #tpu.memory_space<vmem_shared>> -> memref<10008x128xf32, #tpu.memory_space<vmem_shared>>
        tpu.enqueue_indirect_dma source(%arg15 : memref<128x128xf32, #tpu.memory_space<vmem>>) target(%dma_start3A_146 : memref<10008x128xf32, #tpu.memory_space<vmem_shared>>) offsets(%dma_start3A_143 : memref<128xi32, #tpu.memory_space<vmem>>) semaphore(%run_scoped3A_140 : memref<!tpu.dma_semaphore, #tpu.memory_space<semaphore_mem>>) {add = true}
        %dma_wait3A_147 = arith.constant 0 : i32
        %dma_wait3A_148 = tpu.memref_slice %arg10[%run_scoped3A_124, %dma_wait3A_147] : memref<1x128xi32, #tpu.memory_space<vmem>> -> memref<1x128xi32, #tpu.memory_space<vmem>>
        %dma_wait3A_149 = tpu.memref_squeeze %dma_wait3A_148 : memref<1x128xi32, #tpu.memory_space<vmem>> -> memref<128xi32, #tpu.memory_space<vmem>>
        %dma_wait3A_150 = arith.constant 0 : i32
        %dma_wait3A_151 = arith.constant 0 : i32
        %dma_wait3A_152 = tpu.memref_slice %arg16[%dma_wait3A_150, %dma_wait3A_151] : memref<10008x128xf32, #tpu.memory_space<vmem_shared>> -> memref<10008x128xf32, #tpu.memory_space<vmem_shared>>
        tpu.wait_indirect_dma semaphore(%run_scoped3A_140 : memref<!tpu.dma_semaphore, #tpu.memory_space<semaphore_mem>>) src(%arg15 : memref<128x128xf32, #tpu.memory_space<vmem>>) dst(%dma_wait3A_152 : memref<10008x128xf32, #tpu.memory_space<vmem_shared>>)
        tpu.yield
      }) : () -> ()
      %jit3A = arith.constant 2 : i32
      %eq3A_125 = arith.constant 0 : i32
      %eq3A_126 = arith.cmpi eq, %jit3A, %eq3A_125 : i32
      %jit3A_127 = arith.constant 1 : i32
      %select_n3A = arith.select %eq3A_126, %jit3A_127, %jit3A : i32
      %rem3A = arith.remsi %scan3A_53, %select_n3A : i32
      %ne3A = arith.constant 0 : i32
      %ne3A_128 = arith.cmpi ne, %rem3A, %ne3A : i32
      %lt3A = arith.constant 0 : i32
      %lt3A_129 = arith.cmpi slt, %rem3A, %lt3A : i32
      %lt3A_130 = arith.constant 0 : i32
      %lt3A_131 = arith.cmpi slt, %select_n3A, %lt3A_130 : i32
      %ne3A_132 = arith.xori %lt3A_129, %lt3A_131 : i1
      %and3A = arith.andi %ne3A_132, %ne3A_128 : i1
      %add3A_133 = arith.addi %rem3A, %select_n3A : i32
      %select_n3A_134 = arith.select %and3A, %add3A_133, %rem3A : i32
      %eq3A_135 = arith.cmpi eq, %select_n3A_134, %arg0 : i32
      %convert_element_type3A_136 = arith.extui %eq3A_135 : i1 to i32
      %cond3A_137 = arith.constant 0 : i32
      %cond3A_138 = arith.cmpi ne, %convert_element_type3A_136, %cond3A_137 : i32
      scf.if %cond3A_138 {
        %run_scoped3A_140 = arith.constant 0 : i32
        "tpu.region"() ({
          %run_scoped3A_141 = tpu.sem_alloc : memref<!tpu.dma_semaphore, #tpu.memory_space<semaphore_mem>>
          %dma_start3A_142 = arith.constant 0 : i32
          %dma_start3A_143 = tpu.memref_slice %arg10[%run_scoped3A_140, %dma_start3A_142] : memref<1x128xi32, #tpu.memory_space<vmem>> -> memref<1x128xi32, #tpu.memory_space<vmem>>
          %dma_start3A_144 = tpu.memref_squeeze %dma_start3A_143 : memref<1x128xi32, #tpu.memory_space<vmem>> -> memref<128xi32, #tpu.memory_space<vmem>>
          %dma_start3A_145 = arith.constant 0 : i32
          %dma_start3A_146 = arith.constant 0 : i32
          %dma_start3A_147 = tpu.memref_slice %arg17[%dma_start3A_145, %dma_start3A_146] : memref<10008x16xf32, #tpu.memory_space<vmem_shared>> -> memref<10008x16xf32, #tpu.memory_space<vmem_shared>>
          tpu.enqueue_indirect_dma source(%arg14 : memref<128x16xf32, #tpu.memory_space<vmem>>) target(%dma_start3A_147 : memref<10008x16xf32, #tpu.memory_space<vmem_shared>>) offsets(%dma_start3A_144 : memref<128xi32, #tpu.memory_space<vmem>>) semaphore(%run_scoped3A_141 : memref<!tpu.dma_semaphore, #tpu.memory_space<semaphore_mem>>) {add = true}
          %dma_wait3A_148 = arith.constant 0 : i32
          %dma_wait3A_149 = tpu.memref_slice %arg10[%run_scoped3A_140, %dma_wait3A_148] : memref<1x128xi32, #tpu.memory_space<vmem>> -> memref<1x128xi32, #tpu.memory_space<vmem>>
          %dma_wait3A_150 = tpu.memref_squeeze %dma_wait3A_149 : memref<1x128xi32, #tpu.memory_space<vmem>> -> memref<128xi32, #tpu.memory_space<vmem>>
          %dma_wait3A_151 = arith.constant 0 : i32
          %dma_wait3A_152 = arith.constant 0 : i32
          %dma_wait3A_153 = tpu.memref_slice %arg17[%dma_wait3A_151, %dma_wait3A_152] : memref<10008x16xf32, #tpu.memory_space<vmem_shared>> -> memref<10008x16xf32, #tpu.memory_space<vmem_shared>>
          tpu.wait_indirect_dma semaphore(%run_scoped3A_141 : memref<!tpu.dma_semaphore, #tpu.memory_space<semaphore_mem>>) src(%arg14 : memref<128x16xf32, #tpu.memory_space<vmem>>) dst(%dma_wait3A_153 : memref<10008x16xf32, #tpu.memory_space<vmem_shared>>)
          tpu.yield
        }) : () -> ()
      } else {
      }
      %scan3A_139 = arith.constant 0 : i32
      scf.yield %scan3A_139 : i32
    }
    %scan3A_44 = arith.constant 157 : i32
    %barrier3A_45 = arith.constant 0 : index
    tpu.barrier barrier_id(%barrier3A_45)
    %add3A_46 = arith.addi %mul3A_0, %mul3A_16 : i32
    "tpu.region"() ({
      %run_scoped3A = tpu.sem_alloc : memref<!tpu.dma_semaphore, #tpu.memory_space<semaphore_mem>>
      %dma_start3A = arith.constant 0 : i32
      %dma_start3A_53 = tpu.memref_slice %arg7[%add3A_46, %dma_start3A] : memref<20000x128xf32, #tpu.memory_space<hbm>> -> memref<624x128xf32, #tpu.memory_space<hbm>>
      %dma_start3A_54 = arith.constant 0 : i32
      %dma_start3A_55 = tpu.memref_slice %arg16[%mul3A_16, %dma_start3A_54] : memref<10008x128xf32, #tpu.memory_space<vmem_shared>> -> memref<624x128xf32, #tpu.memory_space<vmem_shared>>
      tpu.enqueue_dma source(%dma_start3A_55 : memref<624x128xf32, #tpu.memory_space<vmem_shared>>) target(%dma_start3A_53 : memref<624x128xf32, #tpu.memory_space<hbm>>) target_semaphore(%run_scoped3A : memref<!tpu.dma_semaphore, #tpu.memory_space<semaphore_mem>>)
      %dma_wait3A = arith.constant 0 : i32
      %dma_wait3A_56 = tpu.memref_slice %arg7[%add3A_46, %dma_wait3A] : memref<20000x128xf32, #tpu.memory_space<hbm>> -> memref<624x128xf32, #tpu.memory_space<hbm>>
      %dma_wait3A_57 = arith.constant 0 : i32
      %dma_wait3A_58 = tpu.memref_slice %arg16[%mul3A_16, %dma_wait3A_57] : memref<10008x128xf32, #tpu.memory_space<vmem_shared>> -> memref<624x128xf32, #tpu.memory_space<vmem_shared>>
      tpu.wait_dma2 semaphore(%run_scoped3A : memref<!tpu.dma_semaphore, #tpu.memory_space<semaphore_mem>>) src(%dma_wait3A_58 : memref<624x128xf32, #tpu.memory_space<vmem_shared>>) dst(%dma_wait3A_56 : memref<624x128xf32, #tpu.memory_space<hbm>>)
      tpu.yield
    }) : () -> ()
    %add3A_47 = arith.addi %mul3A_0, %mul3A_16 : i32
    "tpu.region"() ({
      %run_scoped3A = tpu.sem_alloc : memref<!tpu.dma_semaphore, #tpu.memory_space<semaphore_mem>>
      %dma_start3A = arith.constant 0 : i32
      %dma_start3A_53 = tpu.memref_slice %arg8[%add3A_47, %dma_start3A] : memref<20000x16xf32, #tpu.memory_space<hbm>> -> memref<624x16xf32, #tpu.memory_space<hbm>>
      %dma_start3A_54 = arith.constant 0 : i32
      %dma_start3A_55 = tpu.memref_slice %arg17[%mul3A_16, %dma_start3A_54] : memref<10008x16xf32, #tpu.memory_space<vmem_shared>> -> memref<624x16xf32, #tpu.memory_space<vmem_shared>>
      tpu.enqueue_dma source(%dma_start3A_55 : memref<624x16xf32, #tpu.memory_space<vmem_shared>>) target(%dma_start3A_53 : memref<624x16xf32, #tpu.memory_space<hbm>>) target_semaphore(%run_scoped3A : memref<!tpu.dma_semaphore, #tpu.memory_space<semaphore_mem>>)
      %dma_wait3A = arith.constant 0 : i32
      %dma_wait3A_56 = tpu.memref_slice %arg8[%add3A_47, %dma_wait3A] : memref<20000x16xf32, #tpu.memory_space<hbm>> -> memref<624x16xf32, #tpu.memory_space<hbm>>
      %dma_wait3A_57 = arith.constant 0 : i32
      %dma_wait3A_58 = tpu.memref_slice %arg17[%mul3A_16, %dma_wait3A_57] : memref<10008x16xf32, #tpu.memory_space<vmem_shared>> -> memref<624x16xf32, #tpu.memory_space<vmem_shared>>
      tpu.wait_dma2 semaphore(%run_scoped3A : memref<!tpu.dma_semaphore, #tpu.memory_space<semaphore_mem>>) src(%dma_wait3A_58 : memref<624x16xf32, #tpu.memory_space<vmem_shared>>) dst(%dma_wait3A_56 : memref<624x16xf32, #tpu.memory_space<hbm>>)
      tpu.yield
    }) : () -> ()
    %eq3A_48 = arith.constant 15 : i32
    %eq3A_49 = arith.cmpi eq, %arg1, %eq3A_48 : i32
    %convert_element_type3A_50 = arith.extui %eq3A_49 : i1 to i32
    %cond3A_51 = arith.constant 0 : i32
    %cond3A_52 = arith.cmpi ne, %convert_element_type3A_50, %cond3A_51 : i32
    scf.if %cond3A_52 {
      %add3A_53 = arith.constant 9984 : i32
      %add3A_54 = arith.addi %mul3A_0, %add3A_53 : i32
      "tpu.region"() ({
        %run_scoped3A = tpu.sem_alloc : memref<!tpu.dma_semaphore, #tpu.memory_space<semaphore_mem>>
        %dma_start3A = arith.constant 0 : i32
        %dma_start3A_57 = tpu.memref_slice %arg7[%add3A_54, %dma_start3A] : memref<20000x128xf32, #tpu.memory_space<hbm>> -> memref<16x128xf32, #tpu.memory_space<hbm>>
        %dma_start3A_58 = arith.constant 9984 : i32
        %dma_start3A_59 = arith.constant 0 : i32
        %dma_start3A_60 = tpu.memref_slice %arg16[%dma_start3A_58, %dma_start3A_59] : memref<10008x128xf32, #tpu.memory_space<vmem_shared>> -> memref<16x128xf32, #tpu.memory_space<vmem_shared>>
        tpu.enqueue_dma source(%dma_start3A_60 : memref<16x128xf32, #tpu.memory_space<vmem_shared>>) target(%dma_start3A_57 : memref<16x128xf32, #tpu.memory_space<hbm>>) target_semaphore(%run_scoped3A : memref<!tpu.dma_semaphore, #tpu.memory_space<semaphore_mem>>)
        %dma_wait3A = arith.constant 0 : i32
        %dma_wait3A_61 = tpu.memref_slice %arg7[%add3A_54, %dma_wait3A] : memref<20000x128xf32, #tpu.memory_space<hbm>> -> memref<16x128xf32, #tpu.memory_space<hbm>>
        %dma_wait3A_62 = arith.constant 9984 : i32
        %dma_wait3A_63 = arith.constant 0 : i32
        %dma_wait3A_64 = tpu.memref_slice %arg16[%dma_wait3A_62, %dma_wait3A_63] : memref<10008x128xf32, #tpu.memory_space<vmem_shared>> -> memref<16x128xf32, #tpu.memory_space<vmem_shared>>
        tpu.wait_dma2 semaphore(%run_scoped3A : memref<!tpu.dma_semaphore, #tpu.memory_space<semaphore_mem>>) src(%dma_wait3A_64 : memref<16x128xf32, #tpu.memory_space<vmem_shared>>) dst(%dma_wait3A_61 : memref<16x128xf32, #tpu.memory_space<hbm>>)
        tpu.yield
      }) : () -> ()
      %add3A_55 = arith.constant 9984 : i32
      %add3A_56 = arith.addi %mul3A_0, %add3A_55 : i32
      "tpu.region"() ({
        %run_scoped3A = tpu.sem_alloc : memref<!tpu.dma_semaphore, #tpu.memory_space<semaphore_mem>>
        %dma_start3A = arith.constant 0 : i32
        %dma_start3A_57 = tpu.memref_slice %arg8[%add3A_56, %dma_start3A] : memref<20000x16xf32, #tpu.memory_space<hbm>> -> memref<16x16xf32, #tpu.memory_space<hbm>>
        %dma_start3A_58 = arith.constant 9984 : i32
        %dma_start3A_59 = arith.constant 0 : i32
        %dma_start3A_60 = tpu.memref_slice %arg17[%dma_start3A_58, %dma_start3A_59] : memref<10008x16xf32, #tpu.memory_space<vmem_shared>> -> memref<16x16xf32, #tpu.memory_space<vmem_shared>>
        tpu.enqueue_dma source(%dma_start3A_60 : memref<16x16xf32, #tpu.memory_space<vmem_shared>>) target(%dma_start3A_57 : memref<16x16xf32, #tpu.memory_space<hbm>>) target_semaphore(%run_scoped3A : memref<!tpu.dma_semaphore, #tpu.memory_space<semaphore_mem>>)
        %dma_wait3A = arith.constant 0 : i32
        %dma_wait3A_61 = tpu.memref_slice %arg8[%add3A_56, %dma_wait3A] : memref<20000x16xf32, #tpu.memory_space<hbm>> -> memref<16x16xf32, #tpu.memory_space<hbm>>
        %dma_wait3A_62 = arith.constant 9984 : i32
        %dma_wait3A_63 = arith.constant 0 : i32
        %dma_wait3A_64 = tpu.memref_slice %arg17[%dma_wait3A_62, %dma_wait3A_63] : memref<10008x16xf32, #tpu.memory_space<vmem_shared>> -> memref<16x16xf32, #tpu.memory_space<vmem_shared>>
        tpu.wait_dma2 semaphore(%run_scoped3A : memref<!tpu.dma_semaphore, #tpu.memory_space<semaphore_mem>>) src(%dma_wait3A_64 : memref<16x16xf32, #tpu.memory_space<vmem_shared>>) dst(%dma_wait3A_61 : memref<16x16xf32, #tpu.memory_space<hbm>>)
        tpu.yield
      }) : () -> ()
    } else {
    }
    return
  }
}

module attributes {stable_mosaic.version = 14 : i64} {
  func.func @_stage_a_body(%arg0: i32, %arg1: memref<1000x128xf32, #tpu.memory_space<vmem>>, %arg2: memref<128x256xf32, #tpu.memory_space<vmem>>, %arg3: memref<256x16xf32, #tpu.memory_space<vmem>>, %arg4: memref<256x16xf32, #tpu.memory_space<vmem>>, %arg5: memref<2x1000x128xf32, #tpu.memory_space<vmem>>, %arg6: memref<1000x16xf32, #tpu.memory_space<vmem>>, %arg7: memref<1000x16xf32, #tpu.memory_space<vmem>>) attributes {dimension_semantics = [#tpu.dimension_semantics<arbitrary>], iteration_bounds = array<i64: 10>, scalar_prefetch = 0 : i64, scratch_operands = 0 : i64, tpu.core_type = #tpu.core_type<tc>, window_params = [{transform_indices = @transform_0, window_bounds = array<i64: 1000, 128>}, {pipeline_mode = #tpu.pipeline_mode<synchronous>, transform_indices = @transform_1, window_bounds = array<i64: 128, 256>}, {pipeline_mode = #tpu.pipeline_mode<synchronous>, transform_indices = @transform_2, window_bounds = array<i64: 256, 16>}, {pipeline_mode = #tpu.pipeline_mode<synchronous>, transform_indices = @transform_3, window_bounds = array<i64: 256, 16>}, {transform_indices = @transform_4, window_bounds = array<i64: 2, 1000, 128>}, {transform_indices = @transform_5, window_bounds = array<i64: 1000, 16>}, {transform_indices = @transform_6, window_bounds = array<i64: 1000, 16>}]} {
    %get3A = arith.constant 0 : index
    %get3A_0 = arith.constant 0 : index
    %get3A_1 = vector.load %arg1[%get3A, %get3A_0] : memref<1000x128xf32, #tpu.memory_space<vmem>>, vector<1000x128xf32>
    %get3A_2 = arith.constant 0 : index
    %get3A_3 = arith.constant 0 : index
    %get3A_4 = vector.load %arg2[%get3A_2, %get3A_3] : memref<128x256xf32, #tpu.memory_space<vmem>>, vector<128x256xf32>
    %convert_element_type3A = arith.truncf %get3A_1 : vector<1000x128xf32> to vector<1000x128xbf16>
    %convert_element_type3A_5 = arith.truncf %get3A_4 : vector<128x256xf32> to vector<128x256xbf16>
    %dot_general3A = arith.constant dense<0.000000e+00> : vector<1000x256xf32>
    %dot_general3A_6 = tpu.matmul %convert_element_type3A, %convert_element_type3A_5, %dot_general3A {dimension_numbers = #tpu.dot_dimension_numbers<[1], [0], [0], [1], [0, 0, 1, 1], [], []>, transpose_lhs_hint = false} : vector<1000x128xbf16>, vector<128x256xbf16>, vector<1000x256xf32> -> vector<1000x256xf32>
    %slice3A = vector.extract_strided_slice %dot_general3A_6 {offsets = [0, 0], sizes = [1000, 128], strides = [1, 1]} : vector<1000x256xf32> to vector<1000x128xf32>
    %swap3A = arith.constant 0 : index
    %swap3A_7 = arith.constant 0 : index
    %swap3A_8 = arith.constant 0 : index
    %swap3A_9 = vector.load %arg5[%swap3A, %swap3A_7, %swap3A_8] : memref<2x1000x128xf32, #tpu.memory_space<vmem>>, vector<1x1000x128xf32>
    %swap3A_10 = vector.shape_cast %swap3A_9 : vector<1x1000x128xf32> to vector<1000x128xf32>
    %swap3A_11 = vector.shape_cast %slice3A : vector<1000x128xf32> to vector<1x1000x128xf32>
    tpu.vector_store %arg5[%swap3A, %swap3A_7, %swap3A_8], %swap3A_11 {strides = array<i32>} : memref<2x1000x128xf32, #tpu.memory_space<vmem>>, vector<1x1000x128xf32>,
    %slice3A_12 = vector.extract_strided_slice %dot_general3A_6 {offsets = [0, 128], sizes = [1000, 128], strides = [1, 1]} : vector<1000x256xf32> to vector<1000x128xf32>
    %swap3A_13 = arith.constant 1 : index
    %swap3A_14 = arith.constant 0 : index
    %swap3A_15 = arith.constant 0 : index
    %swap3A_16 = vector.load %arg5[%swap3A_13, %swap3A_14, %swap3A_15] : memref<2x1000x128xf32, #tpu.memory_space<vmem>>, vector<1x1000x128xf32>
    %swap3A_17 = vector.shape_cast %swap3A_16 : vector<1x1000x128xf32> to vector<1000x128xf32>
    %swap3A_18 = vector.shape_cast %slice3A_12 : vector<1000x128xf32> to vector<1x1000x128xf32>
    tpu.vector_store %arg5[%swap3A_13, %swap3A_14, %swap3A_15], %swap3A_18 {strides = array<i32>} : memref<2x1000x128xf32, #tpu.memory_space<vmem>>, vector<1x1000x128xf32>,
    %get3A_19 = arith.constant 0 : index
    %get3A_20 = arith.constant 0 : index
    %get3A_21 = vector.load %arg3[%get3A_19, %get3A_20] : memref<256x16xf32, #tpu.memory_space<vmem>>, vector<256x16xf32>
    %convert_element_type3A_22 = arith.truncf %dot_general3A_6 : vector<1000x256xf32> to vector<1000x256xbf16>
    %convert_element_type3A_23 = arith.truncf %get3A_21 : vector<256x16xf32> to vector<256x16xbf16>
    %dot_general3A_24 = arith.constant dense<0.000000e+00> : vector<1000x16xf32>
    %dot_general3A_25 = tpu.matmul %convert_element_type3A_22, %convert_element_type3A_23, %dot_general3A_24 {dimension_numbers = #tpu.dot_dimension_numbers<[1], [0], [0], [1], [0, 0, 1, 1], [], []>, transpose_lhs_hint = false} : vector<1000x256xbf16>, vector<256x16xbf16>, vector<1000x16xf32> -> vector<1000x16xf32>
    %swap3A_26 = arith.constant 0 : index
    %swap3A_27 = arith.constant 0 : index
    %swap3A_28 = vector.load %arg6[%swap3A_26, %swap3A_27] : memref<1000x16xf32, #tpu.memory_space<vmem>>, vector<1000x16xf32>
    tpu.vector_store %arg6[%swap3A_26, %swap3A_27], %dot_general3A_25 {strides = array<i32>} : memref<1000x16xf32, #tpu.memory_space<vmem>>, vector<1000x16xf32>,
    %get3A_29 = arith.constant 0 : index
    %get3A_30 = arith.constant 0 : index
    %get3A_31 = vector.load %arg4[%get3A_29, %get3A_30] : memref<256x16xf32, #tpu.memory_space<vmem>>, vector<256x16xf32>
    %convert_element_type3A_32 = arith.truncf %dot_general3A_6 : vector<1000x256xf32> to vector<1000x256xbf16>
    %convert_element_type3A_33 = arith.truncf %get3A_31 : vector<256x16xf32> to vector<256x16xbf16>
    %dot_general3A_34 = arith.constant dense<0.000000e+00> : vector<1000x16xf32>
    %dot_general3A_35 = tpu.matmul %convert_element_type3A_32, %convert_element_type3A_33, %dot_general3A_34 {dimension_numbers = #tpu.dot_dimension_numbers<[1], [0], [0], [1], [0, 0, 1, 1], [], []>, transpose_lhs_hint = false} : vector<1000x256xbf16>, vector<256x16xbf16>, vector<1000x16xf32> -> vector<1000x16xf32>
    %swap3A_36 = arith.constant 0 : index
    %swap3A_37 = arith.constant 0 : index
    %swap3A_38 = vector.load %arg7[%swap3A_36, %swap3A_37] : memref<1000x16xf32, #tpu.memory_space<vmem>>, vector<1000x16xf32>
    tpu.vector_store %arg7[%swap3A_36, %swap3A_37], %dot_general3A_35 {strides = array<i32>} : memref<1000x16xf32, #tpu.memory_space<vmem>>, vector<1000x16xf32>,
    return
  }
  func.func @transform_0(%arg0: i32) -> (i32, i32) {
    %c0_i32 = arith.constant 0 : i32
    %c0_i32_0 = arith.constant 0 : i32
    return %arg0, %c0_i32 : i32, i32
  }
  func.func @transform_1(%arg0: i32) -> (i32, i32) {
    %c0_i32 = arith.constant 0 : i32
    %c0_i32_0 = arith.constant 0 : i32
    %c0_i32_1 = arith.constant 0 : i32
    return %c0_i32, %c0_i32_0 : i32, i32
  }
  func.func @transform_2(%arg0: i32) -> (i32, i32) {
    %c0_i32 = arith.constant 0 : i32
    %c0_i32_0 = arith.constant 0 : i32
    %c0_i32_1 = arith.constant 0 : i32
    return %c0_i32, %c0_i32_0 : i32, i32
  }
  func.func @transform_3(%arg0: i32) -> (i32, i32) {
    %c0_i32 = arith.constant 0 : i32
    %c0_i32_0 = arith.constant 0 : i32
    %c0_i32_1 = arith.constant 0 : i32
    return %c0_i32, %c0_i32_0 : i32, i32
  }
  func.func @transform_4(%arg0: i32) -> (i32, i32, i32) {
    %c0_i32 = arith.constant 0 : i32
    %c0_i32_0 = arith.constant 0 : i32
    %c0_i32_1 = arith.constant 0 : i32
    return %c0_i32, %arg0, %c0_i32_0 : i32, i32, i32
  }
  func.func @transform_5(%arg0: i32) -> (i32, i32) {
    %c0_i32 = arith.constant 0 : i32
    %c0_i32_0 = arith.constant 0 : i32
    return %arg0, %c0_i32 : i32, i32
  }
  func.func @transform_6(%arg0: i32) -> (i32, i32) {
    %c0_i32 = arith.constant 0 : i32
    %c0_i32_0 = arith.constant 0 : i32
    return %arg0, %c0_i32 : i32, i32
  }
}

module attributes {stable_mosaic.version = 14 : i64} {
  func.func @_stage_c_body(%arg0: i32, %arg1: memref<1000x128xf32, #tpu.memory_space<vmem>>, %arg2: memref<1000x128xf32, #tpu.memory_space<vmem>>, %arg3: memref<1000x8xf32, #tpu.memory_space<vmem>>, %arg4: memref<1000x8xf32, #tpu.memory_space<vmem>>, %arg5: memref<8x256xf32, #tpu.memory_space<vmem>>, %arg6: memref<1x256xf32, #tpu.memory_space<vmem>>, %arg7: memref<1x256xf32, #tpu.memory_space<vmem>>, %arg8: memref<1x256xf32, #tpu.memory_space<vmem>>, %arg9: memref<256x256xf32, #tpu.memory_space<vmem>>, %arg10: memref<1x256xf32, #tpu.memory_space<vmem>>, %arg11: memref<1x256xf32, #tpu.memory_space<vmem>>, %arg12: memref<1x256xf32, #tpu.memory_space<vmem>>, %arg13: memref<256x2xf32, #tpu.memory_space<vmem>>, %arg14: memref<1x2xf32, #tpu.memory_space<vmem>>, %arg15: memref<256x128xf32, #tpu.memory_space<vmem>>, %arg16: memref<1x128xf32, #tpu.memory_space<vmem>>, %arg17: memref<1x128xf32, #tpu.memory_space<vmem>>, %arg18: memref<1x128xf32, #tpu.memory_space<vmem>>, %arg19: memref<128x1xf32, #tpu.memory_space<vmem>>, %arg20: memref<1x1xf32, #tpu.memory_space<vmem>>, %arg21: memref<1000x3xf32, #tpu.memory_space<vmem>>, %arg22: memref<1x1x3xf32, #tpu.memory_space<vmem>>) attributes {dimension_semantics = [#tpu.dimension_semantics<arbitrary>], iteration_bounds = array<i64: 10>, scalar_prefetch = 0 : i64, scratch_operands = 0 : i64, tpu.core_type = #tpu.core_type<tc>, window_params = [{transform_indices = @transform_0, window_bounds = array<i64: 1000, 128>}, {transform_indices = @transform_1, window_bounds = array<i64: 1000, 128>}, {transform_indices = @transform_2, window_bounds = array<i64: 1000, 8>}, {transform_indices = @transform_3, window_bounds = array<i64: 1000, 8>}, {pipeline_mode = #tpu.pipeline_mode<synchronous>, transform_indices = @transform_4, window_bounds = array<i64: 8, 256>}, {pipeline_mode = #tpu.pipeline_mode<synchronous>, transform_indices = @transform_5, window_bounds = array<i64: 1, 256>}, {pipeline_mode = #tpu.pipeline_mode<synchronous>, transform_indices = @transform_6, window_bounds = array<i64: 1, 256>}, {pipeline_mode = #tpu.pipeline_mode<synchronous>, transform_indices = @transform_7, window_bounds = array<i64: 1, 256>}, {pipeline_mode = #tpu.pipeline_mode<synchronous>, transform_indices = @transform_8, window_bounds = array<i64: 256, 256>}, {pipeline_mode = #tpu.pipeline_mode<synchronous>, transform_indices = @transform_9, window_bounds = array<i64: 1, 256>}, {pipeline_mode = #tpu.pipeline_mode<synchronous>, transform_indices = @transform_10, window_bounds = array<i64: 1, 256>}, {pipeline_mode = #tpu.pipeline_mode<synchronous>, transform_indices = @transform_11, window_bounds = array<i64: 1, 256>}, {pipeline_mode = #tpu.pipeline_mode<synchronous>, transform_indices = @transform_12, window_bounds = array<i64: 256, 2>}, {pipeline_mode = #tpu.pipeline_mode<synchronous>, transform_indices = @transform_13, window_bounds = array<i64: 1, 2>}, {pipeline_mode = #tpu.pipeline_mode<synchronous>, transform_indices = @transform_14, window_bounds = array<i64: 256, 128>}, {pipeline_mode = #tpu.pipeline_mode<synchronous>, transform_indices = @transform_15, window_bounds = array<i64: 1, 128>}, {pipeline_mode = #tpu.pipeline_mode<synchronous>, transform_indices = @transform_16, window_bounds = array<i64: 1, 128>}, {pipeline_mode = #tpu.pipeline_mode<synchronous>, transform_indices = @transform_17, window_bounds = array<i64: 1, 128>}, {pipeline_mode = #tpu.pipeline_mode<synchronous>, transform_indices = @transform_18, window_bounds = array<i64: 128, 1>}, {pipeline_mode = #tpu.pipeline_mode<synchronous>, transform_indices = @transform_19, window_bounds = array<i64: 1, 1>}, {transform_indices = @transform_20, window_bounds = array<i64: 1000, 3>}, {transform_indices = @transform_21, window_bounds = array<i64: 1, 1, 3>}]} {
    %get3A = arith.constant 0 : index
    %get3A_0 = arith.constant 0 : index
    %get3A_1 = vector.load %arg3[%get3A, %get3A_0] : memref<1000x8xf32, #tpu.memory_space<vmem>>, vector<1000x8xf32>
    %get3A_2 = arith.constant 0 : index
    %get3A_3 = arith.constant 0 : index
    %get3A_4 = vector.load %arg4[%get3A_2, %get3A_3] : memref<1000x8xf32, #tpu.memory_space<vmem>>, vector<1000x8xf32>
    %add3A = arith.addf %get3A_1, %get3A_4 : vector<1000x8xf32>
    %add3A_5 = arith.constant 1.000000e-16 : f32
    %add3A_6 = vector.broadcast %add3A_5 : f32 to vector<1000x8xf32>
    %add3A_7 = arith.addf %add3A, %add3A_6 : vector<1000x8xf32>
    %div3A = arith.constant 1.000000e+00 : f32
    %div3A_8 = vector.broadcast %div3A : f32 to vector<1000x8xf32>
    %div3A_9 = arith.divf %div3A_8, %add3A_7 : vector<1000x8xf32>
    %get3A_10 = arith.constant 0 : index
    %get3A_11 = arith.constant 0 : index
    %get3A_12 = vector.load %arg5[%get3A_10, %get3A_11] : memref<8x256xf32, #tpu.memory_space<vmem>>, vector<8x256xf32>
    %dot_general3A = arith.constant dense<0.000000e+00> : vector<1000x256xf32>
    %dot_general3A_13 = tpu.matmul %div3A_9, %get3A_12, %dot_general3A {dimension_numbers = #tpu.dot_dimension_numbers<[1], [0], [0], [1], [0, 0, 1, 1], [], []>, precision = #tpu.contract_precision<fp32>, transpose_lhs_hint = false} : vector<1000x8xf32>, vector<8x256xf32>, vector<1000x256xf32> -> vector<1000x256xf32>
    %get3A_14 = arith.constant 0 : index
    %get3A_15 = arith.constant 0 : index
    %get3A_16 = vector.load %arg1[%get3A_14, %get3A_15] : memref<1000x128xf32, #tpu.memory_space<vmem>>, vector<1000x128xf32>
    %get3A_17 = arith.constant 0 : index
    %get3A_18 = arith.constant 0 : index
    %get3A_19 = vector.load %arg2[%get3A_17, %get3A_18] : memref<1000x128xf32, #tpu.memory_space<vmem>>, vector<1000x128xf32>
    %concatenate3A = tpu.concatenate %get3A_16, %get3A_19 in 1 : vector<1000x128xf32>, vector<1000x128xf32> -> vector<1000x256xf32>
    %mul3A = arith.mulf %concatenate3A, %dot_general3A_13 : vector<1000x256xf32>
    %get3A_20 = arith.constant 0 : index
    %get3A_21 = arith.constant 0 : index
    %get3A_22 = vector.load %arg6[%get3A_20, %get3A_21] : memref<1x256xf32, #tpu.memory_space<vmem>>, vector<1x256xf32>
    %add3A_23 = vector.broadcast %get3A_22 : vector<1x256xf32> to vector<1000x256xf32>
    %add3A_24 = arith.addf %mul3A, %add3A_23 : vector<1000x256xf32>
    %get3A_25 = arith.constant 0 : index
    %get3A_26 = arith.constant 0 : index
    %get3A_27 = vector.load %arg7[%get3A_25, %get3A_26] : memref<1x256xf32, #tpu.memory_space<vmem>>, vector<1x256xf32>
    %get3A_28 = arith.constant 0 : index
    %get3A_29 = arith.constant 0 : index
    %get3A_30 = vector.load %arg8[%get3A_28, %get3A_29] : memref<1x256xf32, #tpu.memory_space<vmem>>, vector<1x256xf32>
    %reduce_sum3A = arith.constant dense<0.000000e+00> : vector<1000xf32>
    %reduce_sum3A_31 = vector.multi_reduction <add>, %add3A_24, %reduce_sum3A [1] : vector<1000x256xf32> to vector<1000xf32>
    %broadcast_in_dim3A = vector.shape_cast %reduce_sum3A_31 : vector<1000xf32> to vector<1000x1xf32>
    %div3A_32 = arith.constant 2.560000e+02 : f32
    %div3A_33 = vector.broadcast %div3A_32 : f32 to vector<1000x1xf32>
    %div3A_34 = arith.divf %broadcast_in_dim3A, %div3A_33 : vector<1000x1xf32>
    %jit3A = arith.constant 0 : i32
    %reduce_sum3A_35 = arith.constant dense<0.000000e+00> : vector<1000xf32>
    %reduce_sum3A_36 = vector.multi_reduction <add>, %add3A_24, %reduce_sum3A_35 [1] : vector<1000x256xf32> to vector<1000xf32>
    %broadcast_in_dim3A_37 = vector.shape_cast %reduce_sum3A_36 : vector<1000xf32> to vector<1000x1xf32>
    %div3A_38 = arith.constant 2.560000e+02 : f32
    %div3A_39 = vector.broadcast %div3A_38 : f32 to vector<1000x1xf32>
    %div3A_40 = arith.divf %broadcast_in_dim3A_37, %div3A_39 : vector<1000x1xf32>
    %sub3A = vector.broadcast %div3A_40 : vector<1000x1xf32> to vector<1000x256xf32>
    %sub3A_41 = arith.subf %add3A_24, %sub3A : vector<1000x256xf32>
    %square3A = arith.mulf %sub3A_41, %sub3A_41 : vector<1000x256xf32>
    %convert_element_type3A = arith.sitofp %jit3A : i32 to f32
    %sub3A_42 = arith.constant 2.560000e+02 : f32
    %sub3A_43 = arith.subf %sub3A_42, %convert_element_type3A : f32
    %reduce_sum3A_44 = arith.constant dense<0.000000e+00> : vector<1000xf32>
    %reduce_sum3A_45 = vector.multi_reduction <add>, %square3A, %reduce_sum3A_44 [1] : vector<1000x256xf32> to vector<1000xf32>
    %broadcast_in_dim3A_46 = vector.shape_cast %reduce_sum3A_45 : vector<1000xf32> to vector<1000x1xf32>
    %div3A_47 = vector.broadcast %sub3A_43 : f32 to vector<1000x1xf32>
    %div3A_48 = arith.divf %broadcast_in_dim3A_46, %div3A_47 : vector<1000x1xf32>
    %gt3A = arith.constant 0.000000e+00 : f32
    %gt3A_49 = arith.cmpf ogt, %sub3A_43, %gt3A : f32
    %jit3A_50 = arith.constant 0x7FC00000 : f32
    %broadcast_in_dim3A_51 = vector.broadcast %jit3A_50 : f32 to vector<1000x1xf32>
    %select_n3A = arith.select %gt3A_49, %div3A_48, %broadcast_in_dim3A_51 : vector<1000x1xf32>
    %sub3A_52 = vector.broadcast %div3A_34 : vector<1000x1xf32> to vector<1000x256xf32>
    %sub3A_53 = arith.subf %add3A_24, %sub3A_52 : vector<1000x256xf32>
    %add3A_54 = arith.constant 9.99999974E-6 : f32
    %add3A_55 = vector.broadcast %add3A_54 : f32 to vector<1000x1xf32>
    %add3A_56 = arith.addf %select_n3A, %add3A_55 : vector<1000x1xf32>
    %sqrt3A = math.sqrt %add3A_56 : vector<1000x1xf32>
    %div3A_57 = vector.broadcast %sqrt3A : vector<1000x1xf32> to vector<1000x256xf32>
    %div3A_58 = arith.divf %sub3A_53, %div3A_57 : vector<1000x256xf32>
    %mul3A_59 = vector.broadcast %get3A_27 : vector<1x256xf32> to vector<1000x256xf32>
    %mul3A_60 = arith.mulf %div3A_58, %mul3A_59 : vector<1000x256xf32>
    %add3A_61 = vector.broadcast %get3A_30 : vector<1x256xf32> to vector<1000x256xf32>
    %add3A_62 = arith.addf %mul3A_60, %add3A_61 : vector<1000x256xf32>
    %max3A = arith.constant 0.000000e+00 : f32
    %max3A_63 = vector.broadcast %max3A : f32 to vector<1000x256xf32>
    %max3A_64 = arith.maximumf %add3A_62, %max3A_63 : vector<1000x256xf32>
    %mul3A_65 = arith.mulf %max3A_64, %max3A_64 : vector<1000x256xf32>
    %reduce_sum3A_66 = arith.constant dense<0.000000e+00> : vector<1000xf32>
    %reduce_sum3A_67 = vector.multi_reduction <add>, %mul3A_65, %reduce_sum3A_66 [1] : vector<1000x256xf32> to vector<1000xf32>
    %broadcast_in_dim3A_68 = vector.shape_cast %reduce_sum3A_67 : vector<1000xf32> to vector<1000x1xf32>
    %sqrt3A_69 = math.sqrt %broadcast_in_dim3A_68 : vector<1000x1xf32>
    %max3A_70 = arith.constant 9.99999996E-13 : f32
    %max3A_71 = vector.broadcast %max3A_70 : f32 to vector<1000x1xf32>
    %max3A_72 = arith.maximumf %sqrt3A_69, %max3A_71 : vector<1000x1xf32>
    %div3A_73 = vector.broadcast %max3A_72 : vector<1000x1xf32> to vector<1000x256xf32>
    %div3A_74 = arith.divf %max3A_64, %div3A_73 : vector<1000x256xf32>
    %get3A_75 = arith.constant 0 : index
    %get3A_76 = arith.constant 0 : index
    %get3A_77 = vector.load %arg9[%get3A_75, %get3A_76] : memref<256x256xf32, #tpu.memory_space<vmem>>, vector<256x256xf32>
    %convert_element_type3A_78 = arith.truncf %div3A_74 : vector<1000x256xf32> to vector<1000x256xbf16>
    %convert_element_type3A_79 = arith.truncf %get3A_77 : vector<256x256xf32> to vector<256x256xbf16>
    %dot_general3A_80 = arith.constant dense<0.000000e+00> : vector<1000x256xf32>
    %dot_general3A_81 = tpu.matmul %convert_element_type3A_78, %convert_element_type3A_79, %dot_general3A_80 {dimension_numbers = #tpu.dot_dimension_numbers<[1], [0], [0], [1], [0, 0, 1, 1], [], []>, transpose_lhs_hint = false} : vector<1000x256xbf16>, vector<256x256xbf16>, vector<1000x256xf32> -> vector<1000x256xf32>
    %get3A_82 = arith.constant 0 : index
    %get3A_83 = arith.constant 0 : index
    %get3A_84 = vector.load %arg10[%get3A_82, %get3A_83] : memref<1x256xf32, #tpu.memory_space<vmem>>, vector<1x256xf32>
    %add3A_85 = vector.broadcast %get3A_84 : vector<1x256xf32> to vector<1000x256xf32>
    %add3A_86 = arith.addf %dot_general3A_81, %add3A_85 : vector<1000x256xf32>
    %get3A_87 = arith.constant 0 : index
    %get3A_88 = arith.constant 0 : index
    %get3A_89 = vector.load %arg11[%get3A_87, %get3A_88] : memref<1x256xf32, #tpu.memory_space<vmem>>, vector<1x256xf32>
    %get3A_90 = arith.constant 0 : index
    %get3A_91 = arith.constant 0 : index
    %get3A_92 = vector.load %arg12[%get3A_90, %get3A_91] : memref<1x256xf32, #tpu.memory_space<vmem>>, vector<1x256xf32>
    %reduce_sum3A_93 = arith.constant dense<0.000000e+00> : vector<1000xf32>
    %reduce_sum3A_94 = vector.multi_reduction <add>, %add3A_86, %reduce_sum3A_93 [1] : vector<1000x256xf32> to vector<1000xf32>
    %broadcast_in_dim3A_95 = vector.shape_cast %reduce_sum3A_94 : vector<1000xf32> to vector<1000x1xf32>
    %div3A_96 = arith.constant 2.560000e+02 : f32
    %div3A_97 = vector.broadcast %div3A_96 : f32 to vector<1000x1xf32>
    %div3A_98 = arith.divf %broadcast_in_dim3A_95, %div3A_97 : vector<1000x1xf32>
    %jit3A_99 = arith.constant 0 : i32
    %reduce_sum3A_100 = arith.constant dense<0.000000e+00> : vector<1000xf32>
    %reduce_sum3A_101 = vector.multi_reduction <add>, %add3A_86, %reduce_sum3A_100 [1] : vector<1000x256xf32> to vector<1000xf32>
    %broadcast_in_dim3A_102 = vector.shape_cast %reduce_sum3A_101 : vector<1000xf32> to vector<1000x1xf32>
    %div3A_103 = arith.constant 2.560000e+02 : f32
    %div3A_104 = vector.broadcast %div3A_103 : f32 to vector<1000x1xf32>
    %div3A_105 = arith.divf %broadcast_in_dim3A_102, %div3A_104 : vector<1000x1xf32>
    %sub3A_106 = vector.broadcast %div3A_105 : vector<1000x1xf32> to vector<1000x256xf32>
    %sub3A_107 = arith.subf %add3A_86, %sub3A_106 : vector<1000x256xf32>
    %square3A_108 = arith.mulf %sub3A_107, %sub3A_107 : vector<1000x256xf32>
    %convert_element_type3A_109 = arith.sitofp %jit3A_99 : i32 to f32
    %sub3A_110 = arith.constant 2.560000e+02 : f32
    %sub3A_111 = arith.subf %sub3A_110, %convert_element_type3A_109 : f32
    %reduce_sum3A_112 = arith.constant dense<0.000000e+00> : vector<1000xf32>
    %reduce_sum3A_113 = vector.multi_reduction <add>, %square3A_108, %reduce_sum3A_112 [1] : vector<1000x256xf32> to vector<1000xf32>
    %broadcast_in_dim3A_114 = vector.shape_cast %reduce_sum3A_113 : vector<1000xf32> to vector<1000x1xf32>
    %div3A_115 = vector.broadcast %sub3A_111 : f32 to vector<1000x1xf32>
    %div3A_116 = arith.divf %broadcast_in_dim3A_114, %div3A_115 : vector<1000x1xf32>
    %gt3A_117 = arith.constant 0.000000e+00 : f32
    %gt3A_118 = arith.cmpf ogt, %sub3A_111, %gt3A_117 : f32
    %jit3A_119 = arith.constant 0x7FC00000 : f32
    %broadcast_in_dim3A_120 = vector.broadcast %jit3A_119 : f32 to vector<1000x1xf32>
    %select_n3A_121 = arith.select %gt3A_118, %div3A_116, %broadcast_in_dim3A_120 : vector<1000x1xf32>
    %sub3A_122 = vector.broadcast %div3A_98 : vector<1000x1xf32> to vector<1000x256xf32>
    %sub3A_123 = arith.subf %add3A_86, %sub3A_122 : vector<1000x256xf32>
    %add3A_124 = arith.constant 9.99999974E-6 : f32
    %add3A_125 = vector.broadcast %add3A_124 : f32 to vector<1000x1xf32>
    %add3A_126 = arith.addf %select_n3A_121, %add3A_125 : vector<1000x1xf32>
    %sqrt3A_127 = math.sqrt %add3A_126 : vector<1000x1xf32>
    %div3A_128 = vector.broadcast %sqrt3A_127 : vector<1000x1xf32> to vector<1000x256xf32>
    %div3A_129 = arith.divf %sub3A_123, %div3A_128 : vector<1000x256xf32>
    %mul3A_130 = vector.broadcast %get3A_89 : vector<1x256xf32> to vector<1000x256xf32>
    %mul3A_131 = arith.mulf %div3A_129, %mul3A_130 : vector<1000x256xf32>
    %add3A_132 = vector.broadcast %get3A_92 : vector<1x256xf32> to vector<1000x256xf32>
    %add3A_133 = arith.addf %mul3A_131, %add3A_132 : vector<1000x256xf32>
    %max3A_134 = arith.constant 0.000000e+00 : f32
    %max3A_135 = vector.broadcast %max3A_134 : f32 to vector<1000x256xf32>
    %max3A_136 = arith.maximumf %add3A_133, %max3A_135 : vector<1000x256xf32>
    %get3A_137 = arith.constant 0 : index
    %get3A_138 = arith.constant 0 : index
    %get3A_139 = vector.load %arg13[%get3A_137, %get3A_138] : memref<256x2xf32, #tpu.memory_space<vmem>>, vector<256x2xf32>
    %convert_element_type3A_140 = arith.truncf %max3A_136 : vector<1000x256xf32> to vector<1000x256xbf16>
    %convert_element_type3A_141 = arith.truncf %get3A_139 : vector<256x2xf32> to vector<256x2xbf16>
    %dot_general3A_142 = arith.constant dense<0.000000e+00> : vector<1000x2xf32>
    %dot_general3A_143 = tpu.matmul %convert_element_type3A_140, %convert_element_type3A_141, %dot_general3A_142 {dimension_numbers = #tpu.dot_dimension_numbers<[1], [0], [0], [1], [0, 0, 1, 1], [], []>, transpose_lhs_hint = false} : vector<1000x256xbf16>, vector<256x2xbf16>, vector<1000x2xf32> -> vector<1000x2xf32>
    %get3A_144 = arith.constant 0 : index
    %get3A_145 = arith.constant 0 : index
    %get3A_146 = vector.load %arg14[%get3A_144, %get3A_145] : memref<1x2xf32, #tpu.memory_space<vmem>>, vector<1x2xf32>
    %add3A_147 = vector.broadcast %get3A_146 : vector<1x2xf32> to vector<1000x2xf32>
    %add3A_148 = arith.addf %dot_general3A_143, %add3A_147 : vector<1000x2xf32>
    %get3A_149 = arith.constant 0 : index
    %get3A_150 = arith.constant 0 : index
    %get3A_151 = vector.load %arg15[%get3A_149, %get3A_150] : memref<256x128xf32, #tpu.memory_space<vmem>>, vector<256x128xf32>
    %convert_element_type3A_152 = arith.truncf %div3A_74 : vector<1000x256xf32> to vector<1000x256xbf16>
    %convert_element_type3A_153 = arith.truncf %get3A_151 : vector<256x128xf32> to vector<256x128xbf16>
    %dot_general3A_154 = arith.constant dense<0.000000e+00> : vector<1000x128xf32>
    %dot_general3A_155 = tpu.matmul %convert_element_type3A_152, %convert_element_type3A_153, %dot_general3A_154 {dimension_numbers = #tpu.dot_dimension_numbers<[1], [0], [0], [1], [0, 0, 1, 1], [], []>, transpose_lhs_hint = false} : vector<1000x256xbf16>, vector<256x128xbf16>, vector<1000x128xf32> -> vector<1000x128xf32>
    %get3A_156 = arith.constant 0 : index
    %get3A_157 = arith.constant 0 : index
    %get3A_158 = vector.load %arg16[%get3A_156, %get3A_157] : memref<1x128xf32, #tpu.memory_space<vmem>>, vector<1x128xf32>
    %add3A_159 = vector.broadcast %get3A_158 : vector<1x128xf32> to vector<1000x128xf32>
    %add3A_160 = arith.addf %dot_general3A_155, %add3A_159 : vector<1000x128xf32>
    %get3A_161 = arith.constant 0 : index
    %get3A_162 = arith.constant 0 : index
    %get3A_163 = vector.load %arg17[%get3A_161, %get3A_162] : memref<1x128xf32, #tpu.memory_space<vmem>>, vector<1x128xf32>
    %get3A_164 = arith.constant 0 : index
    %get3A_165 = arith.constant 0 : index
    %get3A_166 = vector.load %arg18[%get3A_164, %get3A_165] : memref<1x128xf32, #tpu.memory_space<vmem>>, vector<1x128xf32>
    %reduce_sum3A_167 = arith.constant dense<0.000000e+00> : vector<1000xf32>
    %reduce_sum3A_168 = vector.multi_reduction <add>, %add3A_160, %reduce_sum3A_167 [1] : vector<1000x128xf32> to vector<1000xf32>
    %broadcast_in_dim3A_169 = vector.shape_cast %reduce_sum3A_168 : vector<1000xf32> to vector<1000x1xf32>
    %div3A_170 = arith.constant 1.280000e+02 : f32
    %div3A_171 = vector.broadcast %div3A_170 : f32 to vector<1000x1xf32>
    %div3A_172 = arith.divf %broadcast_in_dim3A_169, %div3A_171 : vector<1000x1xf32>
    %jit3A_173 = arith.constant 0 : i32
    %reduce_sum3A_174 = arith.constant dense<0.000000e+00> : vector<1000xf32>
    %reduce_sum3A_175 = vector.multi_reduction <add>, %add3A_160, %reduce_sum3A_174 [1] : vector<1000x128xf32> to vector<1000xf32>
    %broadcast_in_dim3A_176 = vector.shape_cast %reduce_sum3A_175 : vector<1000xf32> to vector<1000x1xf32>
    %div3A_177 = arith.constant 1.280000e+02 : f32
    %div3A_178 = vector.broadcast %div3A_177 : f32 to vector<1000x1xf32>
    %div3A_179 = arith.divf %broadcast_in_dim3A_176, %div3A_178 : vector<1000x1xf32>
    %sub3A_180 = vector.broadcast %div3A_179 : vector<1000x1xf32> to vector<1000x128xf32>
    %sub3A_181 = arith.subf %add3A_160, %sub3A_180 : vector<1000x128xf32>
    %square3A_182 = arith.mulf %sub3A_181, %sub3A_181 : vector<1000x128xf32>
    %convert_element_type3A_183 = arith.sitofp %jit3A_173 : i32 to f32
    %sub3A_184 = arith.constant 1.280000e+02 : f32
    %sub3A_185 = arith.subf %sub3A_184, %convert_element_type3A_183 : f32
    %reduce_sum3A_186 = arith.constant dense<0.000000e+00> : vector<1000xf32>
    %reduce_sum3A_187 = vector.multi_reduction <add>, %square3A_182, %reduce_sum3A_186 [1] : vector<1000x128xf32> to vector<1000xf32>
    %broadcast_in_dim3A_188 = vector.shape_cast %reduce_sum3A_187 : vector<1000xf32> to vector<1000x1xf32>
    %div3A_189 = vector.broadcast %sub3A_185 : f32 to vector<1000x1xf32>
    %div3A_190 = arith.divf %broadcast_in_dim3A_188, %div3A_189 : vector<1000x1xf32>
    %gt3A_191 = arith.constant 0.000000e+00 : f32
    %gt3A_192 = arith.cmpf ogt, %sub3A_185, %gt3A_191 : f32
    %jit3A_193 = arith.constant 0x7FC00000 : f32
    %broadcast_in_dim3A_194 = vector.broadcast %jit3A_193 : f32 to vector<1000x1xf32>
    %select_n3A_195 = arith.select %gt3A_192, %div3A_190, %broadcast_in_dim3A_194 : vector<1000x1xf32>
    %sub3A_196 = vector.broadcast %div3A_172 : vector<1000x1xf32> to vector<1000x128xf32>
    %sub3A_197 = arith.subf %add3A_160, %sub3A_196 : vector<1000x128xf32>
    %add3A_198 = arith.constant 9.99999974E-6 : f32
    %add3A_199 = vector.broadcast %add3A_198 : f32 to vector<1000x1xf32>
    %add3A_200 = arith.addf %select_n3A_195, %add3A_199 : vector<1000x1xf32>
    %sqrt3A_201 = math.sqrt %add3A_200 : vector<1000x1xf32>
    %div3A_202 = vector.broadcast %sqrt3A_201 : vector<1000x1xf32> to vector<1000x128xf32>
    %div3A_203 = arith.divf %sub3A_197, %div3A_202 : vector<1000x128xf32>
    %mul3A_204 = vector.broadcast %get3A_163 : vector<1x128xf32> to vector<1000x128xf32>
    %mul3A_205 = arith.mulf %div3A_203, %mul3A_204 : vector<1000x128xf32>
    %add3A_206 = vector.broadcast %get3A_166 : vector<1x128xf32> to vector<1000x128xf32>
    %add3A_207 = arith.addf %mul3A_205, %add3A_206 : vector<1000x128xf32>
    %max3A_208 = arith.constant 0.000000e+00 : f32
    %max3A_209 = vector.broadcast %max3A_208 : f32 to vector<1000x128xf32>
    %max3A_210 = arith.maximumf %add3A_207, %max3A_209 : vector<1000x128xf32>
    %get3A_211 = arith.constant 0 : index
    %get3A_212 = arith.constant 0 : index
    %get3A_213 = vector.load %arg19[%get3A_211, %get3A_212] : memref<128x1xf32, #tpu.memory_space<vmem>>, vector<128x1xf32>
    %convert_element_type3A_214 = arith.truncf %max3A_210 : vector<1000x128xf32> to vector<1000x128xbf16>
    %convert_element_type3A_215 = arith.truncf %get3A_213 : vector<128x1xf32> to vector<128x1xbf16>
    %dot_general3A_216 = arith.constant dense<0.000000e+00> : vector<1000x1xf32>
    %dot_general3A_217 = tpu.matmul %convert_element_type3A_214, %convert_element_type3A_215, %dot_general3A_216 {dimension_numbers = #tpu.dot_dimension_numbers<[1], [0], [0], [1], [0, 0, 1, 1], [], []>, transpose_lhs_hint = false} : vector<1000x128xbf16>, vector<128x1xbf16>, vector<1000x1xf32> -> vector<1000x1xf32>
    %get3A_218 = arith.constant 0 : index
    %get3A_219 = arith.constant 0 : index
    %get3A_220 = vector.load %arg20[%get3A_218, %get3A_219] : memref<1x1xf32, #tpu.memory_space<vmem>>, vector<1x1xf32>
    %add3A_221 = vector.broadcast %get3A_220 : vector<1x1xf32> to vector<1000x1xf32>
    %add3A_222 = arith.addf %dot_general3A_217, %add3A_221 : vector<1000x1xf32>
    %logistic3A = arith.negf %add3A_222 : vector<1000x1xf32>
    %logistic3A_223 = math.exp %logistic3A : vector<1000x1xf32>
    %logistic3A_224 = arith.constant 1.000000e+00 : f32
    %logistic3A_225 = vector.broadcast %logistic3A_224 : f32 to vector<1000x1xf32>
    %logistic3A_226 = arith.addf %logistic3A_225, %logistic3A_223 : vector<1000x1xf32>
    %logistic3A_227 = arith.divf %logistic3A_225, %logistic3A_226 : vector<1000x1xf32>
    %mul3A_228 = arith.constant 2.000000e-01 : f32
    %mul3A_229 = vector.broadcast %mul3A_228 : f32 to vector<1000x1xf32>
    %mul3A_230 = arith.mulf %mul3A_229, %logistic3A_227 : vector<1000x1xf32>
    %add3A_231 = arith.constant 0.899999976 : f32
    %add3A_232 = vector.broadcast %add3A_231 : f32 to vector<1000x1xf32>
    %add3A_233 = arith.addf %add3A_232, %mul3A_230 : vector<1000x1xf32>
    %slice3A = vector.extract_strided_slice %add3A_148 {offsets = [0, 0], sizes = [1000, 1], strides = [1, 1]} : vector<1000x2xf32> to vector<1000x1xf32>
    %slice3A_234 = vector.extract_strided_slice %add3A_148 {offsets = [0, 1], sizes = [1000, 1], strides = [1, 1]} : vector<1000x2xf32> to vector<1000x1xf32>
    %sin3A = math.sin %slice3A : vector<1000x1xf32>
    %mul3A_235 = arith.mulf %add3A_233, %sin3A : vector<1000x1xf32>
    %cos3A = math.cos %slice3A_234 : vector<1000x1xf32>
    %mul3A_236 = arith.mulf %mul3A_235, %cos3A : vector<1000x1xf32>
    %mul3A_237 = arith.mulf %add3A_233, %sin3A : vector<1000x1xf32>
    %sin3A_238 = math.sin %slice3A_234 : vector<1000x1xf32>
    %mul3A_239 = arith.mulf %mul3A_237, %sin3A_238 : vector<1000x1xf32>
    %cos3A_240 = math.cos %slice3A : vector<1000x1xf32>
    %mul3A_241 = arith.mulf %add3A_233, %cos3A_240 : vector<1000x1xf32>
    %concatenate3A_242 = tpu.concatenate %mul3A_236, %mul3A_239, %mul3A_241 in 1 : vector<1000x1xf32>, vector<1000x1xf32>, vector<1000x1xf32> -> vector<1000x3xf32>
    %swap3A = arith.constant 0 : index
    %swap3A_243 = arith.constant 0 : index
    %swap3A_244 = vector.load %arg21[%swap3A, %swap3A_243] : memref<1000x3xf32, #tpu.memory_space<vmem>>, vector<1000x3xf32>
    tpu.vector_store %arg21[%swap3A, %swap3A_243], %concatenate3A_242 {strides = array<i32>} : memref<1000x3xf32, #tpu.memory_space<vmem>>, vector<1000x3xf32>,
    %reduce_sum3A_245 = arith.constant dense<0.000000e+00> : vector<3xf32>
    %reduce_sum3A_246 = vector.multi_reduction <add>, %concatenate3A_242, %reduce_sum3A_245 [0] : vector<1000x3xf32> to vector<3xf32>
    %reshape3A = vector.shape_cast %reduce_sum3A_246 : vector<3xf32> to vector<1x1x3xf32>
    %swap3A_247 = arith.constant 0 : index
    %swap3A_248 = arith.constant 0 : index
    %swap3A_249 = arith.constant 0 : index
    %swap3A_250 = vector.load %arg22[%swap3A_247, %swap3A_248, %swap3A_249] : memref<1x1x3xf32, #tpu.memory_space<vmem>>, vector<1x1x3xf32>
    tpu.vector_store %arg22[%swap3A_247, %swap3A_248, %swap3A_249], %reshape3A {strides = array<i32>} : memref<1x1x3xf32, #tpu.memory_space<vmem>>, vector<1x1x3xf32>,
    return
  }
  func.func @transform_0(%arg0: i32) -> (i32, i32) {
    %c0_i32 = arith.constant 0 : i32
    %c0_i32_0 = arith.constant 0 : i32
    return %arg0, %c0_i32 : i32, i32
  }
  func.func @transform_1(%arg0: i32) -> (i32, i32) {
    %c0_i32 = arith.constant 0 : i32
    %c0_i32_0 = arith.constant 0 : i32
    return %arg0, %c0_i32 : i32, i32
  }
  func.func @transform_2(%arg0: i32) -> (i32, i32) {
    %c0_i32 = arith.constant 0 : i32
    %c0_i32_0 = arith.constant 0 : i32
    return %arg0, %c0_i32 : i32, i32
  }
  func.func @transform_3(%arg0: i32) -> (i32, i32) {
    %c0_i32 = arith.constant 0 : i32
    %c0_i32_0 = arith.constant 0 : i32
    return %arg0, %c0_i32 : i32, i32
  }
  func.func @transform_4(%arg0: i32) -> (i32, i32) {
    %c0_i32 = arith.constant 0 : i32
    %c0_i32_0 = arith.constant 0 : i32
    %c0_i32_1 = arith.constant 0 : i32
    return %c0_i32, %c0_i32_0 : i32, i32
  }
  func.func @transform_5(%arg0: i32) -> (i32, i32) {
    %c0_i32 = arith.constant 0 : i32
    %c0_i32_0 = arith.constant 0 : i32
    %c0_i32_1 = arith.constant 0 : i32
    return %c0_i32, %c0_i32_0 : i32, i32
  }
  func.func @transform_6(%arg0: i32) -> (i32, i32) {
    %c0_i32 = arith.constant 0 : i32
    %c0_i32_0 = arith.constant 0 : i32
    %c0_i32_1 = arith.constant 0 : i32
    return %c0_i32, %c0_i32_0 : i32, i32
  }
  func.func @transform_7(%arg0: i32) -> (i32, i32) {
    %c0_i32 = arith.constant 0 : i32
    %c0_i32_0 = arith.constant 0 : i32
    %c0_i32_1 = arith.constant 0 : i32
    return %c0_i32, %c0_i32_0 : i32, i32
  }
  func.func @transform_8(%arg0: i32) -> (i32, i32) {
    %c0_i32 = arith.constant 0 : i32
    %c0_i32_0 = arith.constant 0 : i32
    %c0_i32_1 = arith.constant 0 : i32
    return %c0_i32, %c0_i32_0 : i32, i32
  }
  func.func @transform_9(%arg0: i32) -> (i32, i32) {
    %c0_i32 = arith.constant 0 : i32
    %c0_i32_0 = arith.constant 0 : i32
    %c0_i32_1 = arith.constant 0 : i32
    return %c0_i32, %c0_i32_0 : i32, i32
  }
  func.func @transform_10(%arg0: i32) -> (i32, i32) {
    %c0_i32 = arith.constant 0 : i32
    %c0_i32_0 = arith.constant 0 : i32
    %c0_i32_1 = arith.constant 0 : i32
    return %c0_i32, %c0_i32_0 : i32, i32
  }
  func.func @transform_11(%arg0: i32) -> (i32, i32) {
    %c0_i32 = arith.constant 0 : i32
    %c0_i32_0 = arith.constant 0 : i32
    %c0_i32_1 = arith.constant 0 : i32
    return %c0_i32, %c0_i32_0 : i32, i32
  }
  func.func @transform_12(%arg0: i32) -> (i32, i32) {
    %c0_i32 = arith.constant 0 : i32
    %c0_i32_0 = arith.constant 0 : i32
    %c0_i32_1 = arith.constant 0 : i32
    return %c0_i32, %c0_i32_0 : i32, i32
  }
  func.func @transform_13(%arg0: i32) -> (i32, i32) {
    %c0_i32 = arith.constant 0 : i32
    %c0_i32_0 = arith.constant 0 : i32
    %c0_i32_1 = arith.constant 0 : i32
    return %c0_i32, %c0_i32_0 : i32, i32
  }
  func.func @transform_14(%arg0: i32) -> (i32, i32) {
    %c0_i32 = arith.constant 0 : i32
    %c0_i32_0 = arith.constant 0 : i32
    %c0_i32_1 = arith.constant 0 : i32
    return %c0_i32, %c0_i32_0 : i32, i32
  }
  func.func @transform_15(%arg0: i32) -> (i32, i32) {
    %c0_i32 = arith.constant 0 : i32
    %c0_i32_0 = arith.constant 0 : i32
    %c0_i32_1 = arith.constant 0 : i32
    return %c0_i32, %c0_i32_0 : i32, i32
  }
  func.func @transform_16(%arg0: i32) -> (i32, i32) {
    %c0_i32 = arith.constant 0 : i32
    %c0_i32_0 = arith.constant 0 : i32
    %c0_i32_1 = arith.constant 0 : i32
    return %c0_i32, %c0_i32_0 : i32, i32
  }
  func.func @transform_17(%arg0: i32) -> (i32, i32) {
    %c0_i32 = arith.constant 0 : i32
    %c0_i32_0 = arith.constant 0 : i32
    %c0_i32_1 = arith.constant 0 : i32
    return %c0_i32, %c0_i32_0 : i32, i32
  }
  func.func @transform_18(%arg0: i32) -> (i32, i32) {
    %c0_i32 = arith.constant 0 : i32
    %c0_i32_0 = arith.constant 0 : i32
    %c0_i32_1 = arith.constant 0 : i32
    return %c0_i32, %c0_i32_0 : i32, i32
  }
  func.func @transform_19(%arg0: i32) -> (i32, i32) {
    %c0_i32 = arith.constant 0 : i32
    %c0_i32_0 = arith.constant 0 : i32
    %c0_i32_1 = arith.constant 0 : i32
    return %c0_i32, %c0_i32_0 : i32, i32
  }
  func.func @transform_20(%arg0: i32) -> (i32, i32) {
    %c0_i32 = arith.constant 0 : i32
    %c0_i32_0 = arith.constant 0 : i32
    return %arg0, %c0_i32 : i32, i32
  }
  func.func @transform_21(%arg0: i32) -> (i32, i32, i32) {
    %c0_i32 = arith.constant 0 : i32
    %c0_i32_0 = arith.constant 0 : i32
    %c0_i32_1 = arith.constant 0 : i32
    return %arg0, %c0_i32, %c0_i32_0 : i32, i32, i32
  }
}

module attributes {stable_mosaic.version = 14 : i64} {
  func.func @_stage_d_body(%arg0: memref<10000x3xf32, #tpu.memory_space<vmem>>, %arg1: memref<10x1x3xf32, #tpu.memory_space<vmem>>, %arg2: memref<10000x3xf32, #tpu.memory_space<vmem>>) attributes {dimension_semantics = [], scalar_prefetch = 0 : i64, scratch_operands = 0 : i64, tpu.core_type = #tpu.core_type<tc>} {
    %get3A = arith.constant 0 : index
    %get3A_0 = arith.constant 0 : index
    %get3A_1 = arith.constant 0 : index
    %get3A_2 = vector.load %arg1[%get3A, %get3A_0, %get3A_1] : memref<10x1x3xf32, #tpu.memory_space<vmem>>, vector<10x1x3xf32>
    %reduce_sum3A = arith.constant dense<0.000000e+00> : vector<3xf32>
    %reduce_sum3A_3 = vector.multi_reduction <add>, %get3A_2, %reduce_sum3A [0, 1] : vector<10x1x3xf32> to vector<3xf32>
    %mul3A = arith.constant 9.99999974E-5 : f32
    %mul3A_4 = vector.broadcast %mul3A : f32 to vector<3xf32>
    %mul3A_5 = arith.mulf %reduce_sum3A_3, %mul3A_4 : vector<3xf32>
    %get3A_6 = arith.constant 0 : index
    %get3A_7 = arith.constant 0 : index
    %get3A_8 = vector.load %arg0[%get3A_6, %get3A_7] : memref<10000x3xf32, #tpu.memory_space<vmem>>, vector<10000x3xf32>
    %reshape3A = vector.shape_cast %mul3A_5 : vector<3xf32> to vector<1x3xf32>
    %sub3A = vector.broadcast %reshape3A : vector<1x3xf32> to vector<10000x3xf32>
    %sub3A_9 = arith.subf %get3A_8, %sub3A : vector<10000x3xf32>
    %swap3A = arith.constant 0 : index
    %swap3A_10 = arith.constant 0 : index
    %swap3A_11 = vector.load %arg2[%swap3A, %swap3A_10] : memref<10000x3xf32, #tpu.memory_space<vmem>>, vector<10000x3xf32>
    tpu.vector_store %arg2[%swap3A, %swap3A_10], %sub3A_9 {strides = array<i32>} : memref<10000x3xf32, #tpu.memory_space<vmem>>, vector<10000x3xf32>,
    return
  }
}

</mosaic_0001>

<sc_bundles>
// kernel: kernel.6.cloned.1.call-start
scs
__scs_entry_jumppad:
0x0: {  	(pc) =	sbr.rel $0x88, $3  }
0x1: {  	(tag) =	ssettag $0x0;
	lr =	simm.s32 $0x1  }
0x2: {  	[smem:$0x3F8D] =	sst lr;
	_ =	strace $0xD0000000  }
0x3: {  	_ = 	snop  }
0x4: {  	_ = 	snop  }
0x5: {  	_ = 	snop  }
0x6: {  	_ = 	snop  }
0x7: {  	_ = 	snop  }
__scs_overlays_trampoline_lowered:
0x8: {  	[smem:$0x3F9C] =	sst s0  }
0x9: {  	[smem:$0x3F9D] =	sst s1  }
0xa: {  	[smem:$0x3F9E] =	sst s2  }
0xb: {  	[smem:$0x3F9F] =	sst s3  }
0xc: {  	[smem:$0x3FA0] =	sst s4  }
0xd: {  	[smem:$0x3FA1] =	sst s5  }
0xe: {  	[smem:$0x3FA2] =	sst s6  }
0xf: {  	[smem:$0x3FA3] =	sst s7  }
0x10: {  	[smem:$0x3FA4] =	sst s8  }
0x11: {  	[smem:$0x3FA5] =	sst s9;
	s0 =	simm.s32 @!p0 $0x0  }
0x12: {  	s1 =	sld [smem:$0x3F8B];
	s0 =	simm.s32 @p0 $0x1  }
0x13: {  	[smem:$0x3FA6] =	sst s0;
	s0 =	simm.s32 @!p1 $0x0  }
0x14: {  	s2 =	sld [smem:$0x3F8A];
	s0 =	simm.s32 @p1 $0x1  }
0x15: {  	[smem:$0x3FA7] =	sst s0;
	s0 =	simm.s32 @!p2 $0x0  }
0x16: {  	s3 =	sld [smem:$0x3FDB];
	s0 =	simm.s32 @p2 $0x1  }
0x17: {  	s4 =	simm.s32 $0x1BF5;
	[smem:$0x3FA9] =	sst s0  }
0x18: {  	s0 =	sld [smem:$0x3F8C];
	_ =	swait.ge [sflag:s4], $0x0  }
0x19: {  	s7 =	sld [smem:$0x3F8D]  }
0x1a: {  	s8 =	sadd.s32 $0xFFFFE003, lr  }
0x1b: {  	s9 =	sadd.s32 $0xFFFFFEF7, lr;
	s5 =	simm.s32 $0xFFFFFFFF;
	p2 =	slt.u32 s8, $0xFFFFF086  }
0x1c: {  	p1 =	slt.u32 s9, $0xF7A;
	s5 =	simm.s32 @!p2 $0x0  }
0x1d: {  	s5 =	simm.s32 @p1 $0x1;
	p0 =	seq.s32 s7, s2  }
0x1e: {  	s7 =	smul.u32 @!p0 $0xF7A, s2;
	p2 =	seq.s32 @!p0 s5, $0x0  }
0x1f: {  	s9 =	smul.u32 $0xF7A, s1;
	s8 =	simm.s32 @!p0 $0x1BF5;
	p2 =	por !p2, p0  }
0x20: {  	[sflag:s8] =	ssyncset.s32 @!p0 $0xFFFFF086;
	s6 =	sadd.s32 @!p0 s3, s7;
	s7 =	simm.s32 @!p0 $0x108  }
0x21: {  	s3 =	sadd.s32 s3, s9;
	s6 =	sadd.s32 @!p0 $0x88, s6;
	s7 =	simm.s32 @p2 $0x1082  }
0x22: {  	[simem:s7], [sflag:s8] =	dma.local @!p0 [hbm:s6], $0xF7A  }
0x23: {  	s9 =	sor.u32 $0xD0000000, s2;
	s6 =	simm.s32 $0x108;
	_ =	swait.ge @!p0 [sflag:s8], $0x0  }
0x24: {  	s3 =	sadd.s32 $0x88, s3;
	s6 =	simm.s32 @!p1 $0x1082;
	[sflag:s4] =	ssyncset.s32 $0xFFFFF086  }
0x25: {  	[simem:s6], [sflag:s4] =	dma.local [hbm:s3], $0xF7A  }
0x26: {  	[smem:$0x3F8D] =	sst s1;
	(tag) =	ssettag s2;
	_ =	strace s9  }
0x27: {  	s1 =	sld [smem:$0x3F9D]  }
0x28: {  	s2 =	sld [smem:$0x3F9E]  }
0x29: {  	s4 =	sld [smem:$0x3FA0]  }
0x2a: {  	p0 =	seq.s32 s5, $0x0;
	s5 =	sld [smem:$0x3FA1]  }
0x2b: {  	s6 =	sld [smem:$0x3FA2]  }
0x2c: {  	s7 =	sld [smem:$0x3FA3]  }
0x2d: {  	s3 =	simm.s32 $0x108;
	s8 =	sld [smem:$0x3FA4]  }
0x2e: {  	s3 =	simm.s32 @!p0 $0x1082;
	s9 =	sld [smem:$0x3FA5]  }
0x2f: {  	lr =	sadd.s32 s0, s3;
	s0 =	sld [smem:$0x3F9C]  }
0x30: {  	s3 =	sld [smem:$0x3F9F]  }
0x31: {  	[smem:$0x3FA8] =	sst s10  }
0x32: {  	s10 =	sld [smem:$0x3FA6];
	_ =	sdelay $0x3  }
0x33: {  	p0 =	seq.s32 s10, $0x1;
	s10 =	sld [smem:$0x3FA8];
	_ =	sdelay $0x3  }
0x34: {  	[smem:$0x3FA8] =	sst s10  }
0x35: {  	s10 =	sld [smem:$0x3FA7];
	_ =	sdelay $0x3  }
0x36: {  	p1 =	seq.s32 s10, $0x1;
	s10 =	sld [smem:$0x3FA8];
	_ =	sdelay $0x3  }
0x37: {  	[smem:$0x3FA8] =	sst s10  }
0x38: {  	s10 =	sld [smem:$0x3FA9]  }
0x39: {  	_ = 	snop;
	(pc) =	sbr.ind lr, $3  }
0x3a: {  	_ = 	snop  }
0x3b: {  	_ = 	snop  }
0x3c: {  	p2 =	seq.s32 s10, $0x1;
	s10 =	sld [smem:$0x3FA8]  }
0x3d: {  	_ =	shalt  }
0x3e: {  	_ =	shalt  }
0x3f: {  	_ =	shalt  }
0x40: {  	_ =	shalt  }
0x41: {  	_ =	shalt  }
0x42: {  	_ =	shalt  }
0x43: {  	_ =	shalt  }
0x44: {  	_ =	shalt  }
0x45: {  	_ =	shalt  }
0x46: {  	_ =	shalt  }
0x47: {  	_ =	shalt  }
0x48: {  	_ =	shalt  }
0x49: {  	_ =	shalt  }
0x4a: {  	_ =	shalt  }
0x4b: {  	_ =	shalt  }
0x4c: {  	_ =	shalt  }
0x4d: {  	_ =	shalt  }
0x4e: {  	_ =	shalt  }
0x4f: {  	_ =	shalt  }
0x50: {  	_ =	shalt  }
0x51: {  	_ =	shalt  }
0x52: {  	_ =	shalt  }
0x53: {  	_ =	shalt  }
0x54: {  	_ =	shalt  }
0x55: {  	_ =	shalt  }
0x56: {  	_ =	shalt  }
0x57: {  	_ =	shalt  }
0x58: {  	_ =	shalt  }
0x59: {  	_ =	shalt  }
0x5a: {  	_ =	shalt  }
0x5b: {  	_ =	shalt  }
0x5c: {  	_ =	shalt  }
0x5d: {  	_ =	shalt  }
0x5e: {  	_ =	shalt  }
0x5f: {  	_ =	shalt  }
0x60: {  	_ =	shalt  }
0x61: {  	_ =	shalt  }
0x62: {  	_ =	shalt  }
0x63: {  	_ =	shalt  }
0x64: {  	_ =	shalt  }
0x65: {  	_ =	shalt  }
0x66: {  	_ =	shalt  }
0x67: {  	_ =	shalt  }
0x68: {  	_ =	shalt  }
0x69: {  	_ =	shalt  }
0x6a: {  	_ =	shalt  }
0x6b: {  	_ =	shalt  }
0x6c: {  	_ =	shalt  }
0x6d: {  	_ =	shalt  }
0x6e: {  	_ =	shalt  }
0x6f: {  	_ =	shalt  }
0x70: {  	_ =	shalt  }
0x71: {  	_ =	shalt  }
0x72: {  	_ =	shalt  }
0x73: {  	_ =	shalt  }
0x74: {  	_ =	shalt  }
0x75: {  	_ =	shalt  }
0x76: {  	_ =	shalt  }
0x77: {  	_ =	shalt  }
0x78: {  	_ =	shalt  }
0x79: {  	_ =	shalt  }
0x7a: {  	_ =	shalt  }
0x7b: {  	_ =	shalt  }
0x7c: {  	_ =	shalt  }
0x7d: {  	_ =	shalt  }
0x7e: {  	_ =	shalt  }
0x7f: {  	_ =	shalt  }
0x80: {  	_ =	shalt  }
0x81: {  	_ =	shalt  }
0x82: {  	_ =	shalt  }
0x83: {  	_ =	shalt  }
0x84: {  	_ =	shalt  }
0x85: {  	_ =	shalt  }
0x86: {  	_ =	shalt  }
0x87: {  	_ =	shalt  }
.Lfunc_end0:
.L_simem_size_0:
called_computation_lowered:
.L_overlay_start_0:
0x88: {  	s2 =	sld [smem:$0x3FD9]  }
0x89: {  	s3 =	sld [smem:$0x3FFE];
	_ =	sdelay $0x1  }
0x8a: {  	s1 =	srdreg.scid  }
0x8b: {  	s0 =	sand.u32 $0x1, s1  }
0x8c: {  	s16 =	sshll.u32 s0, $0xA;
	s2 =	sadd.s32 s3, s2  }
0x8d: {  	s2 =	sadd.s32 s2, s16  }
0x8e: {  	[smem:$0x3FB4] =	sst s2  }
0x8f: {  	_ = 	snop  }
0x90: {  	(tm) =	ssettm $0x1  }
0x91: {  	s17 =	sld [smem:$0x3FFB];
	_ =	sdelay $0x3  }
0x92: {  	_ =	strace s17  }
0x93: {  	s2 =	sld [smem:$0x3FFC];
	_ =	sdelay $0x3  }
0x94: {  	_ =	strace s2  }
0x95: {  	s2 =	sld [smem:$0x3FFD];
	_ =	sdelay $0x3  }
0x96: {  	_ =	strace s2  }
0x97: {  	_ =	strace $0x8FFFFFFF  }
0x98: {  	s18 =	sld [smem:$0x3FDB];
	_ =	sdelay $0x1  }
0x99: {  	s19 =	simm.s32 $_scs_section_size  }
0x9a: {  	s4 =	simm.s32 $_size__tile_overlayer_lowered;
	s5 =	simm.s32 $_tile_overlayer_lowered  }
0x9b: {  	s22 =	simm.s32 $0x1BFF;
	s21 =	sshll.u32 s5, $0x1;
	s2 =	sadd.s32 s19, s18  }
0x9c: {  	s6 =	simm.s32 $0x0;
	s20 =	sshll.u32 s4, $0x1;
	s4 =	sadd.s32 s21, s2  }
0x9d: {  	[timem:s6], [sflag:s22] =	dma.local [hbm:s4], s20  }
0x9e: {  	_ =	swait.ge [sflag:s22], s20  }
0x9f: {  	s3 =	ssub.s32 $0x0, s20;
	[sflag:s22] =	ssyncset.done $0x0  }
0xa0: {  	[sflag:s22] =	ssyncadd.s32 s3;
	_ =	sdelay $0x1  }
0xa1: {  	s23 =	simm.s32 $0x1B8B  }
0xa2: {  	_ =	swait.ge [sflag:s23], $0x1  }
0xa3: {  	[sflag:s23] =	ssyncset.done $0x0  }
0xa4: {  	s25 =	simm.s32 $0x1B8E;
	s24 =	sld [smem:$0x3FFE];
	[sflag:s23] =	ssyncadd.s32 $0xFFFFFFFF  }
0xa5: {  	s26 =	simm.s32 $execute0_lowered;
	[smem:$0x3FD2] =	sst s25  }
0xa6: {  	s4 =	sshll.u32 s26, $0x1;
	_ =	strace $0x80000046;
	[dreg:$0x1] =	wrdreg $0xFFFFFFFF  }
0xa7: {  	s28 =	simm.s32 $_size_execute0_lowered;
	s2 =	sadd.s32 s2, s4;
	[dreg:$0x0] =	wrdreg $0x0  }
0xa8: {  	s4 =	sshll.u32 s28, $0x1;
	[dreg:$0x2] =	wrdreg s2  }
0xa9: {  	[dreg:$0x3] =	wrdreg s4  }
0xaa: {  	[dreg:$0x4] =	wrdreg $0xC0  }
0xab: {  	_ =	task [dreg:s6], $0x5FFFF  }
0xac: {  	[dreg:$0x1] =	wrdreg $0xFFFFFFFF  }
0xad: {  	[dreg:$0x0] =	wrdreg $0x60  }
0xae: {  	[dreg:$0x2] =	wrdreg s24  }
0xaf: {  	[dreg:$0x3] =	wrdreg $0x59800  }
0xb0: {  	[dreg:$0x4] =	wrdreg $0x192400  }
0xb1: {  	[dreg:$0x5] =	wrdreg $0x9  }
0xb2: {  	_ =	task.clear_ibuf [dreg:s6], $0x6FFFF;
	_ =	strace $0x90000046  }
0xb3: {  	s29 =	simm.s32 $0x9;
	_ =	strace $0x80000048  }
0xb4: {  	_ =	swait.ge [sflag:s29], $0x1  }
0xb5: {  	[sflag:s29] =	ssyncadd.s32 $0xFFFFFFFF  }
0xb6: {  	_ =	strace $0x90000048  }
0xb7: {  	_ =	sfence  }
0xb8: {  	s30 =	sld [smem:$0x0];
	_ =	sdelay $0x2  }
0xb9: {  	s31 =	sshll.u32 s1, $0xD;
	s1 =	sshrl.u32 s1, $0x2  }
0xba: {  	s3 =	sand.u32 $0x4000, s31;
	s1 =	sadd.s32 s1, s30  }
0xbb: {  	s0 =	sor.u32 s3, s0;
	s1 =	sshll.u32 s1, $0x11  }
0xbc: {  	s0 =	sor.u32 s1, s0  }
0xbd: {  	s0 =	sadd.s32 $0x8F2B, s0  }
0xbe: {  	[sflag:s0] =	ssyncadd.remote.s32 $0x1  }
0xbf: {  	_ =	sfence.sel $0xFFFF  }
0xc0: {  	[dreg:$0x0] =	wrdreg $0xFFFFFFFF;
	(pc) =	sbr.abs _section_cstart, $3  }
0xc1: {  	[dreg:$0x1] =	wrdreg $0xFFFFFFFF  }
0xc2: {  	_ =	task.clear_ibuf [dreg:s6], $0x2FFFF;
	_ =	strace $0x9FFFFFFF  }
0xc3: {  	(tm) =	ssettm $0x7FFFFFFF  }
tec
execute0_lowered:
.L_overlay_start_1:
0x0: {  	(tag) =	ssettag $0x1  }
0x1: {  	s0 =	rddreg [dreg:$0x0]  }
0x2: {  	s1 =	rddreg [dreg:$0x1]  }
0x3: {  	s2 =	rddreg [dreg:$0x2]  }
0x4: {  	s3 =	simm.s32 $0x0;
	s7 =	srdreg.scid;
	s20 =	stileid.u32  }
0x5: {  	s30 =	simm.s32 $0x1980;
	s31 =	simm.s32 $0x3;
	[smem:$0x7FF] =	sst s3  }
0x6: {  	s4 =	sadd.s32 $0x3000, s0;
	s5 =	sadd.s32 $0x51200, s0;
	s6 =	sadd.s32 $0x56200, s0  }
0x7: {  	s8 =	sadd.s32 $0x5B200, s0;
	s9 =	sadd.s32 $0x65000, s0;
	s12 =	smul.u32 $0x4E000, s20  }
0x8: {  	s10 =	sand.u32 $0x1, s7;
	s7 =	sadd.s32 $0x6EE00, s0;
	s14 =	smul.u32 $0x9C00, s20  }
0x9: {  	s0 =	sadd.s32 $0xBD000, s0;
	s15 =	smul.u32 $0x270, s20;
	p0 =	sne.s32 s20, $0xF  }
0xa: {  	s28 =	sadd.s32 $0x27000, s2;
	s29 =	smul.u32 $0x4E80, s20;
	s11 =	ssub.s32 $0x2, s10  }
0xb: {  	_ =	strace $0x80000047;
	s16 =	smul.u32 $0x2710, s10;
	s13 =	sshrl.u32 s11, $0x1  }
0xc: {  	s19 =	sshrl.u32 s12, $0x2;
	s21 =	sshrl.u32 s14, $0x2;
	s22 =	sadd.s32 $0x80, s15  }
0xd: {  	s17 =	sadd.s32 $0x100, s15;
	s13 =	ssub.s32 s11, s13;
	s11 =	sadd.s32 s19, s1  }
0xe: {  	s12 =	sadd.s32 s21, s2;
	s18 =	sshll.u32 s22, $0x7;
	s14 =	sshll.u32 s22, $0x4  }
0xf: {  	s19 =	sshll.u32 s17, $0x7;
	s24 =	sshll.u32 s17, $0x4;
	s25 =	sadd.s32 s15, s16  }
0x10: {  	s26 =	sadd.s32 $0x2700, s16;
	v0 =	vmov s16;
	s16 =	simm.s32 $0x100;
	s18 =	sadd.s32 s18, s1  }
0x11: {  	s14 =	sadd.s32 s14, s2;
	s23 =	sadd.s32 s19, s1;
	[dreg:$0x4] =	wrdreg s18  }
0x12: {  	s19 =	sshll.u32 s25, $0x4;
	s21 =	sshll.u32 s26, $0x4;
	[dreg:$0x5] =	wrdreg s14  }
0x13: {  	s22 =	sshll.u32 s25, $0x1;
	[dreg:$0x6] =	wrdreg s23;
	s14 =	sadd.s32 s24, s2  }
0x14: {  	s23 =	sadd.s32 $0x180, s15;
	s24 =	sshll.u32 s26, $0x1;
	s26 =	sadd.s32 $0x200, s15  }
0x15: {  	[dreg:$0x7] =	wrdreg s14;
	s14 =	sadd.s32 s7, s19;
	s7 =	sadd.s32 s7, s21  }
0x16: {  	s25 =	sshll.u32 s23, $0x7;
	s15 =	sshll.u32 s23, $0x4;
	s17 =	sshll.u32 s26, $0x7  }
0x17: {  	s19 =	sshll.u32 s26, $0x4;
	s21 =	smax.u32 s13, $0x1;
	[dreg:$0x8] =	wrdreg s14  }
0x18: {  	s26 =	sadd.s32 $0x138000, s1;
	s13 =	simm.s32 $0x80;
	[dreg:$0x9] =	wrdreg s7  }
0x19: {  	s14 =	sadd.s32 s0, s22;
	s0 =	sadd.s32 s0, s24;
	[dreg:$0x10] =	wrdreg s21  }
0x1a: {  	s18 =	sadd.s32 s17, s1;
	s22 =	sshll.u32 s10, $0x2;
	[dreg:$0xa] =	wrdreg s14  }
0x1b: {  	s7 =	simm.s32 $0x4;
	s17 =	simm.s32 $0x1;
	[dreg:$0xb] =	wrdreg s0  }
0x1c: {  	s0 =	sadd.s32 s25, s1;
	[dreg:$0xe] =	wrdreg s18;
	s23 =	sor.u32 $0x1, s22  }
0x1d: {  	s24 =	sor.u32 $0x2, s22;
	s25 =	sshllo.u32 s10, $0x2;
	s14 =	simm.s32 $0x180  }
0x1e: {  	v1 =	vmov s22;
	s18 =	simm.s32 $0x2;
	[dreg:$0xc] =	wrdreg s0;
	s0 =	sadd.s32 s15, s2;
	v2 =	vmov s23;
	v3 =	vmov s24  }
0x1f: {  	v4 =	vmov s25;
	v1 =	vbroadcast v1, $0x0;
	s15 =	simm.s32 $0x980;
	[dreg:$0xd] =	wrdreg s0;
	s0 =	sadd.s32 s19, s2;
	v2 =	vbroadcast v2, $0x0  }
0x20: {  	v5 =	vimm.f32 $0.0e+00;
	v3 =	vbroadcast v3, $0x0;
	v4 =	vbroadcast v4, $0x0;
	s19 =	simm.s32 $0x0;
	[dreg:$0xf] =	wrdreg s0;
	s0 =	simm.s32 $0x1180  }
.LBB2_1:
0x21: {  	s20 =	simm.s32 $0x0;
	s21 =	simm.s32 $0x200  }
.LBB2_2:
0x22: {  	p1 =	sne.s32 s21, $0xFE00;
	[tilespmem:s20+$0x19F0] =	vst v5  }
0x23: {  	[tilespmem:s20+$0x1980] =	vst v5  }
0x24: {  	[tilespmem:s20+$0x1990] =	vst v5  }
.Ltmp0:
0x25: {  	[tilespmem:s20+$0x19A0] =	vst v5;
	(pc) =	sbr.rel @p1 .LBB2_2-.Ltmp0, $4  }
0x26: {  	[tilespmem:s20+$0x19B0] =	vst v5  }
0x27: {  	[tilespmem:s20+$0x19C0] =	vst v5  }
0x28: {  	[tilespmem:s20+$0x19D0] =	vst v5  }
0x29: {  	[tilespmem:s20+$0x19E0] =	vst v5;
	s20 =	sshra.s32 s21, $0x2;
	s21 =	sadd.s32 $0x200, s21  }
0x2a: {  	[tilespmem:s20+$0x19F0] =	vst v5  }
0x2b: {  	[tilespmem:s20+$0x1980] =	vst v5  }
0x2c: {  	[tilespmem:s20+$0x1990] =	vst v5  }
0x2d: {  	[tilespmem:s20+$0x19A0] =	vst v5  }
0x2e: {  	[tilespmem:s20+$0x19B0] =	vst v5  }
0x2f: {  	[tilespmem:s20+$0x19C0] =	vst v5  }
0x30: {  	[tilespmem:s20+$0x19D0] =	vst v5  }
0x31: {  	[tilespmem:s20+$0x19E0] =	vst v5;
	s20 =	simm.s32 $0x11A0  }
0x32: {  	[tilespmem:s20+$0xFFFFFFE0] =	vst v5  }
0x33: {  	[tilespmem:s20+$0x10] =	vst v5  }
0x34: {  	s21 =	simm.s32 $0x0;
	[tilespmem:s20+$0x0] =	vst v5  }
.LBB2_4:
0x35: {  	s21 =	sadd.s32 $0x4, s21  }
0x36: {  	[tilespmem:s20+$0xFFFFFFF0] =	vst v5;
	s20 =	sadd.s32 $0x40, s20;
	p1 =	slt.u32 s21, $0x7C  }
.Ltmp1:
0x37: {  	[tilespmem:s20+$0xFFFFFFE0] =	vst v5;
	(pc) =	sbr.rel @p1 .LBB2_4-.Ltmp1, $3  }
0x38: {  	_ =	sdelay $0x1  }
0x39: {  	[tilespmem:s20+$0x10] =	vst v5  }
0x3a: {  	[tilespmem:s20+$0x0] =	vst v5  }
0x3b: {  	[tilespmem:s20+$0xFFFFFFF0] =	vst v5  }
0x3c: {  	[spmem:s11] =	stream.linear.scatter [tilespmem:s30], [sflag:$0x3], $0x4000, $0x38;
	[tilespmem:$0x1B958] =	vst v63  }
0x3d: {  	_ =	swait.ge [sflag:s31], $0x4000  }
0x3e: {  	[sflag:s31] =	ssyncset.done $0x0  }
0x3f: {  	[sflag:s31] =	ssyncadd.s32 $0xFFFFC000  }
0x40: {  	[spmem:s12] =	stream.linear.scatter [tilespmem:s0], [sflag:$0x3], $0x800, $0x38;
	[tilespmem:$0x1B958] =	vst v63  }
0x41: {  	_ =	swait.ge [sflag:s31], $0x800  }
0x42: {  	[sflag:s31] =	ssyncset.done $0x0  }
0x43: {  	s23 =	rddreg [dreg:$0x4];
	[sflag:s31] =	ssyncadd.s32 $0xFFFFF800  }
0x44: {  	[spmem:s23] =	stream.linear.scatter [tilespmem:s30], [sflag:$0x3], $0x4000, $0x38;
	[tilespmem:$0x1B958] =	vst v63  }
0x45: {  	_ =	swait.ge [sflag:s31], $0x4000  }
0x46: {  	[sflag:s31] =	ssyncset.done $0x0  }
0x47: {  	s24 =	rddreg [dreg:$0x5];
	[sflag:s31] =	ssyncadd.s32 $0xFFFFC000  }
0x48: {  	[spmem:s24] =	stream.linear.scatter [tilespmem:s0], [sflag:$0x3], $0x800, $0x38;
	[tilespmem:$0x1B958] =	vst v63  }
0x49: {  	_ =	swait.ge [sflag:s31], $0x800  }
0x4a: {  	[sflag:s31] =	ssyncset.done $0x0  }
0x4b: {  	s25 =	rddreg [dreg:$0x6];
	[sflag:s31] =	ssyncadd.s32 $0xFFFFF800  }
0x4c: {  	[spmem:s25] =	stream.linear.scatter [tilespmem:s30], [sflag:$0x3], $0x4000, $0x38;
	[tilespmem:$0x1B958] =	vst v63  }
0x4d: {  	_ =	swait.ge [sflag:s31], $0x4000  }
0x4e: {  	[sflag:s31] =	ssyncset.done $0x0  }
0x4f: {  	s21 =	rddreg [dreg:$0x7];
	[sflag:s31] =	ssyncadd.s32 $0xFFFFC000  }
0x50: {  	[spmem:s21] =	stream.linear.scatter [tilespmem:s0], [sflag:$0x3], $0x800, $0x38;
	[tilespmem:$0x1B958] =	vst v63  }
0x51: {  	_ =	swait.ge [sflag:s31], $0x800  }
0x52: {  	[sflag:s31] =	ssyncset.done $0x0  }
0x53: {  	s22 =	rddreg [dreg:$0xc];
	[sflag:s31] =	ssyncadd.s32 $0xFFFFF800  }
0x54: {  	[spmem:s22] =	stream.linear.scatter [tilespmem:s30], [sflag:$0x3], $0x4000, $0x38;
	[tilespmem:$0x1B958] =	vst v63  }
0x55: {  	_ =	swait.ge [sflag:s31], $0x4000  }
0x56: {  	[sflag:s31] =	ssyncset.done $0x0  }
0x57: {  	s23 =	rddreg [dreg:$0xd];
	[sflag:s31] =	ssyncadd.s32 $0xFFFFC000  }
0x58: {  	[spmem:s23] =	stream.linear.scatter [tilespmem:s0], [sflag:$0x3], $0x800, $0x38;
	[tilespmem:$0x1B958] =	vst v63  }
0x59: {  	_ =	swait.ge [sflag:s31], $0x800  }
0x5a: {  	[sflag:s31] =	ssyncset.done $0x0  }
0x5b: {  	s24 =	rddreg [dreg:$0xe];
	[sflag:s31] =	ssyncadd.s32 $0xFFFFF800  }
0x5c: {  	[spmem:s24] =	stream.linear.scatter [tilespmem:s30], [sflag:$0x3], $0x3800, $0x38;
	[tilespmem:$0x1B958] =	vst v63  }
0x5d: {  	_ =	swait.ge [sflag:s31], $0x3800  }
0x5e: {  	[sflag:s31] =	ssyncset.done $0x0  }
0x5f: {  	s25 =	rddreg [dreg:$0xf];
	[sflag:s31] =	ssyncadd.s32 $0xFFFFC800  }
0x60: {  	[spmem:s25] =	stream.linear.scatter [tilespmem:s0], [sflag:$0x3], $0x700, $0x38;
	[tilespmem:$0x1B958] =	vst v63  }
0x61: {  	_ =	swait.ge [sflag:s31], $0x700  }
0x62: {  	[sflag:s31] =	ssyncset.done $0x0  }
0x63: {  	s20 =	simm.s32 @!p0 $0x1980;
	[sflag:s31] =	ssyncadd.s32 $0xFFFFF900  }
0x64: {  	[spmem:s26] =	stream.linear.scatter @!p0 [tilespmem:s20], [sflag:$0x3], $0xC00, $0x38;
	[tilespmem:$0x1B958] =	vst v63  }
0x65: {  	s20 =	simm.s32 @!p0 $0x3  }
0x66: {  	_ =	swait.ge @!p0 [sflag:s20], $0xC00  }
0x67: {  	[sflag:s20] =	ssyncset.done @!p0 $0x0  }
0x68: {  	s21 =	simm.s32 @!p0 $0x1180;
	[sflag:s20] =	ssyncadd.s32 @!p0 $0xFFFFF400  }
0x69: {  	[spmem:s28] =	stream.linear.scatter @!p0 [tilespmem:s21], [sflag:$0x3], $0x180, $0x38;
	[tilespmem:$0x1B958] =	vst v63  }
0x6a: {  	_ =	swait.ge @!p0 [sflag:s20], $0x180  }
0x6b: {  	[sflag:s20] =	ssyncset.done @!p0 $0x0  }
0x6c: {  	[sflag:s20] =	ssyncadd.s32 @!p0 $0xFFFFFE80  }
0x6d: {  	s20 =	simm.s32 $0x0;
	[bflag:$0x0] =	sbarrier.arrive $0xFFFF  }
.LBB2_6:
0x6e: {  	s21 =	sshll.u32 s20, $0x7  }
0x6f: {  	s21 =	sadd.s32 s29, s21  }
0x70: {  	s21 =	sshrl.u32 s21, $0x3  }
0x71: {  	s22 =	sadd.s32 s8, s21  }
0x72: {  	[tilespmem:s3], [sflag:$0x4] =	stream.linear.gather [hbm4b:s22+s3], $0x80, $0x38;
	[tilespmem:$0x1B958] =	vst v63  }
0x73: {  	_ =	swait.ge [sflag:s7], $0x80  }
0x74: {  	[sflag:s7] =	ssyncset.done $0x0  }
0x75: {  	s21 =	sadd.s32 s9, s21;
	[sflag:s7] =	ssyncadd.s32 $0xFFFFFF80  }
0x76: {  	[tilespmem:s13], [sflag:$0x4] =	stream.linear.gather [hbm4b:s21+s3], $0x80, $0x38;
	[tilespmem:$0x1B958] =	vst v63  }
0x77: {  	_ =	swait.ge [sflag:s7], $0x80  }
0x78: {  	[sflag:s7] =	ssyncset.done $0x0  }
0x79: {  	[sflag:s7] =	ssyncadd.s32 $0xFFFFFF80  }
0x7a: {  	v6 =	vld [tilespmem:$0x0]  }
0x7b: {  	v7 =	vld [tilespmem:$0x10]  }
0x7c: {  	v8 =	vld [tilespmem:$0x20]  }
0x7d: {  	v9 =	vld [tilespmem:$0x30]  }
0x7e: {  	v10 =	vld [tilespmem:$0x40]  }
0x7f: {  	v11 =	vld [tilespmem:$0x50];
	v6 =	vadd.s32 v0, v6  }
0x80: {  	[tilespmem:$0x100] =	vst v6;
	v6 =	vadd.s32 v0, v7;
	v7 =	vld [tilespmem:$0x60]  }
0x81: {  	v63 =	vld [tilespmem:$0x70];
	[tilespmem:$0x110] =	vst v6;
	v6 =	vadd.s32 v0, v8  }
0x82: {  	[tilespmem:$0x120] =	vst v6;
	v6 =	vadd.s32 v0, v9  }
0x83: {  	[tilespmem:$0x130] =	vst v6;
	v6 =	vadd.s32 v0, v10  }
0x84: {  	[tilespmem:$0x140] =	vst v6;
	v6 =	vadd.s32 v0, v11  }
0x85: {  	[tilespmem:$0x150] =	vst v6;
	v6 =	vadd.s32 v0, v7  }
0x86: {  	[tilespmem:$0x160] =	vst v6;
	v6 =	vadd.s32 v0, v63  }
0x87: {  	[tilespmem:$0x170] =	vst v6  }
0x88: {  	[tilespmem:s14], [sflag:$0x1] =	stream.indirect.gather [hbm4b:s5+s13], $0x10, s3, s13, $0xb8;
	[tilespmem:$0x1B958] =	vst v63  }
0x89: {  	_ = 	snop  }
0x8a: {  	[tilespmem:s15], [sflag:$0x1] =	stream.indirect.gather [hbm4b:s6+s13], $0x10, s13, s13, $0xb8;
	[tilespmem:$0x1B958] =	vst v63  }
0x8b: {  	_ = 	snop  }
0x8c: {  	[tilespmem:s30], [sflag:$0x2] =	stream.indirect.gather [hbm4b:s4+s13], $0x80, s16, s13, $0xb8;
	[tilespmem:$0x1B958] =	vst v63  }
0x8d: {  	_ =	swait.ge [sflag:s17], $0x800  }
0x8e: {  	[sflag:s17] =	ssyncset.done $0x0  }
0x8f: {  	[sflag:s17] =	ssyncadd.s32 $0xFFFFF800  }
0x90: {  	_ =	swait.ge [sflag:s17], $0x800  }
0x91: {  	[sflag:s17] =	ssyncset.done $0x0  }
0x92: {  	s23 =	simm.s32 $0x190;
	[sflag:s17] =	ssyncadd.s32 $0xFFFFF800  }
0x93: {  	s21 =	simm.s32 $0x990;
	v6 =	vld [tilespmem:s23+$0xFFFFFFF0]  }
0x94: {  	v7 =	vld [tilespmem:s21+$0xFFFFFFF0];
	_ =	sdelay $0x4  }
0x95: {  	v6 =	vadd.f32 v7, v6;
	_ =	sdelay $0x1  }
0x96: {  	v7 =	vmul.f32 $2.000000030e-01, v6;
	_ =	sdelay $0x1  }
0x97: {  	v6 =	vmax.f32 v6, v7  }
0x98: {  	v6 =	vmul.f32 $1.442695020e+00, v6;
	_ =	sdelay $0x1  }
0x99: {  	(erf) = vpow2.f32 v6;
	_ =	sdelay $0x8  }
0x9a: {  	s22 =	simm.s32 $0x1190;
	v6 =	vpop (erf)  }
0x9b: {  	[tilespmem:s22+$0xFFFFFFF0] =	vst v6  }
0x9c: {  	v6 =	vld [tilespmem:s23+$0x0]  }
0x9d: {  	v7 =	vld [tilespmem:s21+$0x0];
	_ =	sdelay $0x4  }
0x9e: {  	v6 =	vadd.f32 v7, v6;
	_ =	sdelay $0x1  }
0x9f: {  	v7 =	vmul.f32 $2.000000030e-01, v6;
	_ =	sdelay $0x1  }
0xa0: {  	v6 =	vmax.f32 v6, v7  }
0xa1: {  	v6 =	vmul.f32 $1.442695020e+00, v6;
	_ =	sdelay $0x1  }
0xa2: {  	(erf) = vpow2.f32 v6;
	_ =	sdelay $0x7  }
0xa3: {  	s25 =	simm.s32 $0x1B0;
	s24 =	simm.s32 $0x1190;
	s23 =	simm.s32 $0x0  }
.LBB2_7:
0xa4: {  	s23 =	sadd.s32 $0x2, s23;
	s22 =	sadd.s32 $0x20, s22;
	s21 =	sadd.s32 $0x20, s21;
	v6 =	vpop (erf)  }
0xa5: {  	p1 =	slt.u32 s23, $0x7E;
	[tilespmem:s24+$0x0] =	vst v6;
	s24 =	smov.u32 s22  }
0xa6: {  	v6 =	vld [tilespmem:s25+$0xFFFFFFF0]  }
0xa7: {  	v7 =	vld [tilespmem:s21+$0xFFFFFFF0];
	_ =	sdelay $0x4  }
0xa8: {  	v6 =	vadd.f32 v7, v6;
	_ =	sdelay $0x1  }
0xa9: {  	v7 =	vmul.f32 $2.000000030e-01, v6;
	_ =	sdelay $0x1  }
0xaa: {  	v6 =	vmax.f32 v6, v7  }
0xab: {  	v6 =	vmul.f32 $1.442695020e+00, v6;
	_ =	sdelay $0x1  }
0xac: {  	(erf) = vpow2.f32 v6;
	_ =	sdelay $0x8  }
0xad: {  	v6 =	vpop (erf)  }
0xae: {  	[tilespmem:s22+$0xFFFFFFF0] =	vst v6  }
0xaf: {  	v6 =	vld [tilespmem:s25+$0x0]  }
0xb0: {  	v7 =	vld [tilespmem:s21+$0x0];
	_ =	sdelay $0x4  }
0xb1: {  	v6 =	vadd.f32 v7, v6;
	_ =	sdelay $0x1  }
0xb2: {  	v7 =	vmul.f32 $2.000000030e-01, v6;
	_ =	sdelay $0x1  }
0xb3: {  	v6 =	vmax.f32 v6, v7  }
0xb4: {  	v6 =	vmul.f32 $1.442695020e+00, v6;
	_ =	sdelay $0x1  }
0xb5: {  	(erf) = vpow2.f32 v6;
	_ =	sdelay $0x3  }
.Ltmp2:
0xb6: {  	(pc) =	sbr.rel @p1 .LBB2_7-.Ltmp2, $2  }
0xb7: {  	_ =	sdelay $0x2  }
0xb8: {  	s25 =	sadd.s32 $0x20, s25  }
0xb9: {  	v6 =	vpop (erf)  }
0xba: {  	[tilespmem:s24+$0x0] =	vst v6  }
0xbb: {  	_ =	swait.ge [sflag:s18], $0x4000  }
0xbc: {  	[sflag:s18] =	ssyncset.done $0x0  }
0xbd: {  	s21 =	simm.s32 $0x19C0;
	[sflag:s18] =	ssyncadd.s32 $0xFFFFC000  }
0xbe: {  	s22 =	simm.s32 $0x0;
	v13 =	vld [tilespmem:s21+$0xFFFFFFD0]  }
0xbf: {  	v8 =	vld [tilespmem:s22+$0x1180]  }
0xc0: {  	v11 =	vld [tilespmem:s21+$0x20]  }
0xc1: {  	v14 =	vld [tilespmem:s21+$0xFFFFFFC0]  }
0xc2: {  	v17 =	vld [tilespmem:s21+$0xFFFFFFE0]  }
0xc3: {  	v6 =	vld [tilespmem:s21+$0xFFFFFFF0]  }
0xc4: {  	v7 =	vld [tilespmem:s21+$0x30];
	v15 =	vperm.xlane v8, v1;
	v12 =	vperm.xlane v8, v4  }
0xc5: {  	v9 =	vld [tilespmem:s21+$0x0];
	v10 =	vperm.xlane v8, v2  }
0xc6: {  	v16 =	vmul.f32 v14, v15;
	v14 =	vmul.f32 v11, v12;
	v11 =	vld [tilespmem:s21+$0x10]  }
0xc7: {  	v8 =	vperm.xlane v8, v3  }
0xc8: {  	s23 =	simm.s32 $0x19C0;
	s22 =	simm.s32 $0x40;
	v15 =	vmul.f32 v13, v15;
	v13 =	vmul.f32 v17, v10  }
.LBB2_9:
0xc9: {  	p1 =	sne.s32 s22, $0x1FC0  }
0xca: {  	[tilespmem:s21+$0xFFFFFFC0] =	vst v16;
	v9 =	vmul.f32 v9, v8;
	v7 =	vmul.f32 v7, v12;
	s23 =	sadd.s32 $0x80, s23;
	s24 =	smov.u32 s22;
	s22 =	sadd.s32 $0x40, s22  }
0xcb: {  	v10 =	vmul.f32 v6, v10;
	v8 =	vmul.f32 v11, v8;
	[tilespmem:s21+$0x20] =	vst v14  }
0xcc: {  	[tilespmem:s21+$0xFFFFFFD0] =	vst v15  }
0xcd: {  	[tilespmem:s21+$0xFFFFFFE0] =	vst v13  }
0xce: {  	[tilespmem:s21+$0x30] =	vst v7  }
0xcf: {  	v6 =	vld [tilespmem:s23+$0xFFFFFFF0];
	[tilespmem:s21+$0x10] =	vst v8  }
0xd0: {  	v13 =	vld [tilespmem:s23+$0xFFFFFFD0];
	[tilespmem:s21+$0xFFFFFFF0] =	vst v10  }
0xd1: {  	s24 =	sshra.s32 s24, $0x2;
	v14 =	vld [tilespmem:s23+$0x20];
	[tilespmem:s21+$0x0] =	vst v9;
	s21 =	smov.u32 s23  }
0xd2: {  	v8 =	vld [tilespmem:s24+$0x1180]  }
0xd3: {  	v7 =	vld [tilespmem:s23+$0x30]  }
0xd4: {  	v15 =	vld [tilespmem:s23+$0xFFFFFFC0]  }
0xd5: {  	v17 =	vld [tilespmem:s23+$0xFFFFFFE0]  }
.Ltmp3:
0xd6: {  	v9 =	vld [tilespmem:s23+$0x0];
	(pc) =	sbr.rel @p1 .LBB2_9-.Ltmp3, $4  }
0xd7: {  	v18 =	vperm.xlane v8, v1;
	v11 =	vld [tilespmem:s23+$0x10];
	v12 =	vperm.xlane v8, v4  }
0xd8: {  	v10 =	vperm.xlane v8, v2;
	v8 =	vperm.xlane v8, v3  }
0xd9: {  	v16 =	vmul.f32 v15, v18;
	v14 =	vmul.f32 v14, v12  }
0xda: {  	v15 =	vmul.f32 v13, v18;
	v13 =	vmul.f32 v17, v10  }
0xdb: {  	[tilespmem:s21+$0xFFFFFFC0] =	vst v16  }
0xdc: {  	[tilespmem:s21+$0x20] =	vst v14  }
0xdd: {  	v7 =	vmul.f32 v7, v12;
	[tilespmem:s21+$0xFFFFFFD0] =	vst v15  }
0xde: {  	v6 =	vmul.f32 v6, v10;
	[tilespmem:s21+$0xFFFFFFE0] =	vst v13  }
0xdf: {  	v11 =	vmul.f32 v11, v8;
	[tilespmem:s21+$0x30] =	vst v7  }
0xe0: {  	v7 =	vmul.f32 v9, v8;
	[tilespmem:s21+$0xFFFFFFF0] =	vst v6  }
0xe1: {  	[tilespmem:s21+$0x10] =	vst v11  }
0xe2: {  	[tilespmem:s21+$0x0] =	vst v7  }
0xe3: {  	[spmem:s1] =	stream.indirect.scatter.add.f32 [tilespmem:s30], [sflag:$0x4], $0x80, s13, s13, $0xb8;
	[tilespmem:$0x1B958] =	vst v63  }
0xe4: {  	s25 =	sand.u32 $0x1, s20;
	s20 =	sadd.s32 $0x1, s20;
	_ =	swait.ge [sflag:s7], $0x4000  }
0xe5: {  	p1 =	sne.s32 s25, s10;
	p2 =	sne.s32 s20, $0x9D;
	[sflag:s7] =	ssyncset.done $0x0  }
0xe6: {  	s22 =	simm.s32 @!p1 $0x1180;
	s21 =	simm.s32 @!p1 $0x80;
	[sflag:s7] =	ssyncadd.s32 $0xFFFFC000  }
0xe7: {  	[spmem:s2] =	stream.indirect.scatter.add.f32 @!p1 [tilespmem:s22], [sflag:$0x3], $0x10, s21, s21, $0xb8;
	[tilespmem:$0x1B958] =	vst v63  }
.Ltmp4:
0xe8: {  	_ = 	snop;
	(pc) =	sbr.rel @p2 .LBB2_6-.Ltmp4, $4  }
0xe9: {  	s21 =	simm.s32 @!p1 $0x3  }
0xea: {  	_ =	swait.ge @!p1 [sflag:s21], $0x800  }
0xeb: {  	[sflag:s21] =	ssyncset.done @!p1 $0x0  }
0xec: {  	[sflag:s21] =	ssyncadd.s32 @!p1 $0xFFFFF800  }
0xed: {  	s20 =	stileid.u32  }
0xee: {  	[bflag:$0x0] =	sbarrier.arrive $0xFFFF;
	s20 =	sshll.u32 s20, $0x6  }
0xef: {  	s21 =	sshrl.u32 s11, $0x3;
	s22 =	rddreg [dreg:$0x8];
	s20 =	sor.u32 $0x1C03, s20  }
0xf0: {  	[hbm:s22], [sflag:s20] =	dma.local [spmem:s21], $0x2700  }
0xf1: {  	_ =	swait.ge [sflag:s31], $0x2700  }
0xf2: {  	[sflag:s31] =	ssyncset.done $0x0  }
0xf3: {  	s23 =	sshrl.u32 s12, $0x3;
	s24 =	rddreg [dreg:$0xa];
	[sflag:s31] =	ssyncadd.s32 $0xFFFFD900  }
0xf4: {  	[hbm:s24], [sflag:s20] =	dma.local [spmem:s23], $0x4E0  }
0xf5: {  	_ =	swait.ge [sflag:s31], $0x4E0  }
0xf6: {  	[sflag:s31] =	ssyncset.done $0x0  }
0xf7: {  	s21 =	sshrl.u32 @!p0 s26, $0x3;
	s22 =	rddreg [dreg:$0x9];
	[sflag:s31] =	ssyncadd.s32 $0xFFFFFB20  }
0xf8: {  	[hbm:s22], [sflag:s20] =	dma.local @!p0 [spmem:s21], $0x100  }
0xf9: {  	s21 =	simm.s32 @!p0 $0x3  }
0xfa: {  	_ =	swait.ge @!p0 [sflag:s21], $0x100  }
0xfb: {  	[sflag:s21] =	ssyncset.done @!p0 $0x0  }
0xfc: {  	s22 =	sshrl.u32 @!p0 s28, $0x3;
	s23 =	rddreg [dreg:$0xb];
	[sflag:s21] =	ssyncadd.s32 @!p0 $0xFFFFFF00  }
0xfd: {  	[hbm:s23], [sflag:s20] =	dma.local @!p0 [spmem:s22], $0x20  }
0xfe: {  	_ =	swait.ge @!p0 [sflag:s21], $0x20  }
0xff: {  	s19 =	sadd.s32 $0x1, s19;
	s25 =	rddreg [dreg:$0x10]  }
0x100: {  	p1 =	sne.s32 s19, s25  }
.Ltmp5:
0x101: {  	_ = 	snop;
	(pc) =	sbr.rel @p1 .LBB2_1-.Ltmp5, $3  }
0x102: {  	_ =	sdelay $0x1  }
0x103: {  	[sflag:s21] =	ssyncset.done @!p0 $0x0  }
0x104: {  	[sflag:s21] =	ssyncadd.s32 @!p0 $0xFFFFFFE0  }
0x105: {  	_ =	sfence.sel $0x180000  }
0x106: {  	[bflag:$0x0] =	sbarrier.arrive $0xFFFF  }
0x107: {  	_ =	strace $0x90000047  }
0x108: {  	s0 =	stileid.u32;
	[bflag:$0x2] =	sbarrier.arrive $0xFFFF  }
0x109: {  	p0 =	sne.s32 s0, $0x0;
	s0 =	rddreg [dreg:$0x3]  }
0x10a: {  	s0 =	sadd.s32 @!p0 $0x100000, s0  }
0x10b: {  	[sflag:s0] =	ssyncadd.tile.s32 @!p0 $0x1;
	_ =	shalt  }
.Lfunc_end2:
_tile_overlayer_lowered:
.L_overlay_start_2:
0x10c: {  	(tag) =	ssettag $0x2  }
0x10d: {  	s0 =	rddreg [dreg:$0x0];
	s2 =	stileid.u32  }
0x10e: {  	s1 =	rddreg [dreg:$0x1];
	p0 =	sne.s32 s2, $0x0  }
0x10f: {  	s3 =	rddreg [dreg:$0x2];
	[bflag:$0x3] =	sbarrier.arrive $0xFFFF;
	s2 =	simm.s32 @!p0 $0x1C03  }
0x110: {  	[timem:s3], [sflag:s2] =	dma.local @!p0 [hbm:s0], s1  }
0x111: {  	s0 =	simm.s32 @!p0 $0x3  }
0x112: {  	_ =	swait.ge @!p0 [sflag:s0], s1  }
0x113: {  	s1 =	ssub.s32 @!p0 $0x0, s1;
	[sflag:s0] =	ssyncset.done @!p0 $0x0  }
0x114: {  	[sflag:s0] =	ssyncadd.s32 @!p0 s1  }
0x115: {  	[bflag:$0x3] =	sbarrier.arrive $0xFFFF  }
0x116: {  	_ =	shalt  }

</sc_bundles>
